<compile_context>
chip_gen: v7x
topology: tpu7x:2x2x1
jax: 0.10.2.dev20260603
libtpu: 0.0.44.dev20260713+nightly
codegen_flags: <defaults>
</compile_context>

<pallas_src>
import functools

import jax
import jax.numpy as jnp
from jax import lax
from jax.experimental import pallas as pl
from jax.experimental.pallas import tpu as pltpu
from jax.experimental.pallas import tpu_sc as plsc

_REPS = (2, 2, 2, 2, 2, 3, 2, 2, 2, 2)
_STARTS = (0, 2, 4, 6, 8, 10, 13, 15, 17, 19)
_NIN = 10
_NOUT = 21
_NF = 20
_NBUF = 10
_PREF = 6


def _make(d, m):
    info = plsc.get_sparse_core_info()
    nc, ns = info.num_cores, info.num_subcores
    nw = nc * ns
    assert d % 8 == 0 and m % 128 == 0
    ndb = d // 8
    ncq = nw // ndb
    mq = m // ncq
    n_items = _NF * _NIN

    mesh = plsc.VectorSubcoreMesh(core_axis_name="c", subcore_axis_name="s")

    @functools.partial(
        pl.kernel, mesh=mesh,
        out_type=jax.ShapeDtypeStruct((_NF * _NOUT, d, m), jnp.float32),
        scratch_types=(
            [pltpu.VMEM((_NBUF * 8, mq), jnp.float32)]
            + [pltpu.SemaphoreType.DMA] * (2 * _NBUF)
        ),
    )
    def k(in_hbm, out_hbm, buf, *sems):
        rsem = sems[:_NBUF]
        wsem = sems[_NBUF:]
        wid = lax.axis_index("s") * nc + lax.axis_index("c")
        d0 = (wid % ndb) * 8
        c0 = (wid // ndb) * mq

        def read_start(item, b):
            pltpu.async_copy(in_hbm.at[item, pl.ds(d0, 8), pl.ds(c0, mq)],
                             buf.at[pl.ds(b * 8, 8)], rsem[b])

        def read_wait(item, b):
            pltpu.make_async_copy(
                in_hbm.at[item, pl.ds(d0, 8), pl.ds(c0, mq)],
                buf.at[pl.ds(b * 8, 8)], rsem[b]).wait()

        def write_start(orow, b):
            pltpu.async_copy(buf.at[pl.ds(b * 8, 8)],
                             out_hbm.at[orow, pl.ds(d0, 8), pl.ds(c0, mq)],
                             wsem[b])

        def write_wait(orow, b):
            pltpu.make_async_copy(
                buf.at[pl.ds(b * 8, 8)],
                out_hbm.at[orow, pl.ds(d0, 8), pl.ds(c0, mq)],
                wsem[b]).wait()

        for kk in range(_PREF):
            read_start(kk, kk % _NBUF)

        def fbody(f, _):
            item0 = f * _NIN
            for i in range(_NIN):
                b = i % _NBUF
                item = item0 + i
                read_wait(item, b)
                orow0 = f * _NOUT + _STARTS[i]
                for r in range(_REPS[i]):
                    write_start(orow0 + r, b)

                bd = (i + _PREF) % _NBUF
                item_d = item + _PREF
                prev = item_d - _NBUF

                @pl.when(item_d < n_items)
                def _prefetch():
                    @pl.when(prev >= 0)
                    def _drain_prev():
                        pi = (i + _PREF - _NBUF) % _NIN
                        prow0 = (prev // _NIN) * _NOUT + _STARTS[pi]
                        for r in range(_REPS[pi]):
                            write_wait(prow0 + r, bd)

                    read_start(item_d, bd)
            return _

        lax.fori_loop(0, _NF, fbody, None)

        for i in range(_NIN - _NBUF, _NIN):
            b = i % _NBUF
            prow0 = (_NF - 1) * _NOUT + _STARTS[i]
            for r in range(_REPS[i]):
                write_wait(prow0 + r, b)

    return k


def kernel(data2):
    B, F, N, D = data2.shape
    x = jnp.transpose(data2, (1, 2, 3, 0)).reshape(F * N, D, B)
    out = _make(D, B)(x)
    out = out.reshape(F, _NOUT, D, B)
    return jnp.transpose(out, (3, 0, 1, 2))

# --- scband reference (transcript-rebuilt; emitter-appended) ---
"""Pipeline reference for scband-s-up-sampling-33294586479301 (READ-ONLY COPY).

The authoritative reference and input builder live on the scoring server;
editing this copy changes nothing except your own understanding.
"""

import jax, jax.numpy as jnp
import numpy as np

# mode=1 node_map from the torch module
_NODE_MAP = [[1, 2], [3, 4], [5, 6], [7, 8], [0, 9], [10, 11, 12], [13, 14], [15, 16], [17, 18], [19, 20]]
# forward appends skeleton_data[i] once per entry in node_map[i] -> gather indices
_IDX = jnp.asarray([i for i in range(len(_NODE_MAP)) for _ in _NODE_MAP[i]], dtype=jnp.int32)  # length 21


def setup_inputs(seed: int = 0) -> dict:
    key = jax.random.key(seed)
    data2 = jax.random.normal(key, (4096, 20, 10, 64), dtype=jnp.float32)
    return {"data2": data2}


def reference(data2):
    # Faithful tensorized version of the triple python loop: for each batch element
    # and each frame, node i of the input is replicated len(node_map[i]) times,
    # producing 21 output nodes from 10 input nodes. This is a gather on axis 2.
    return jnp.take(data2, _IDX, axis=2)

if __name__ == "__main__":
    import jax
    _d = setup_inputs()
    print(jax.jit(kernel)(*tuple(_d.values())))

</pallas_src>

<mosaic_0001>
#map = affine_map<(d0, d1) -> (0, 0, 0)>
module attributes {stable_mosaic.version = 14 : i64} {
  func.func @k(%arg0: i32, %arg1: i32, %arg2: memref<200x64x4096xf32, #tpu.memory_space<hbm>>, %arg3: memref<420x64x4096xf32, #tpu.memory_space<hbm>>, %arg4: memref<80x1024xf32, #tpu.memory_space<vmem>>, %arg5: memref<!tpu.dma_semaphore, #tpu.memory_space<semaphore_mem>>, %arg6: memref<!tpu.dma_semaphore, #tpu.memory_space<semaphore_mem>>, %arg7: memref<!tpu.dma_semaphore, #tpu.memory_space<semaphore_mem>>, %arg8: memref<!tpu.dma_semaphore, #tpu.memory_space<semaphore_mem>>, %arg9: memref<!tpu.dma_semaphore, #tpu.memory_space<semaphore_mem>>, %arg10: memref<!tpu.dma_semaphore, #tpu.memory_space<semaphore_mem>>, %arg11: memref<!tpu.dma_semaphore, #tpu.memory_space<semaphore_mem>>, %arg12: memref<!tpu.dma_semaphore, #tpu.memory_space<semaphore_mem>>, %arg13: memref<!tpu.dma_semaphore, #tpu.memory_space<semaphore_mem>>, %arg14: memref<!tpu.dma_semaphore, #tpu.memory_space<semaphore_mem>>, %arg15: memref<!tpu.dma_semaphore, #tpu.memory_space<semaphore_mem>>, %arg16: memref<!tpu.dma_semaphore, #tpu.memory_space<semaphore_mem>>, %arg17: memref<!tpu.dma_semaphore, #tpu.memory_space<semaphore_mem>>, %arg18: memref<!tpu.dma_semaphore, #tpu.memory_space<semaphore_mem>>, %arg19: memref<!tpu.dma_semaphore, #tpu.memory_space<semaphore_mem>>, %arg20: memref<!tpu.dma_semaphore, #tpu.memory_space<semaphore_mem>>, %arg21: memref<!tpu.dma_semaphore, #tpu.memory_space<semaphore_mem>>, %arg22: memref<!tpu.dma_semaphore, #tpu.memory_space<semaphore_mem>>, %arg23: memref<!tpu.dma_semaphore, #tpu.memory_space<semaphore_mem>>, %arg24: memref<!tpu.dma_semaphore, #tpu.memory_space<semaphore_mem>>) attributes {dimension_semantics = [#tpu.dimension_semantics<core_parallel>, #tpu.dimension_semantics<subcore_parallel>], iteration_bounds = array<i64: 2, 16>, scalar_prefetch = 0 : i64, scratch_operands = 21 : i64, tpu.core_type = #tpu.core_type<sc_vector_subcore>, window_params = [{transform_indices = #map}, {transform_indices = #map}]} {
    %mul3A = arith.constant 2 : i32
    %mul3A_0 = arith.muli %arg1, %mul3A : i32
    %add3A = arith.addi %mul3A_0, %arg0 : i32
    %jit3A = arith.constant 8 : i32
    %eq3A = arith.constant 0 : i32
    %eq3A_1 = arith.cmpi eq, %jit3A, %eq3A : i32
    %jit3A_2 = arith.constant 1 : i32
    %select_n3A = arith.select %eq3A_1, %jit3A_2, %jit3A : i32
    %rem3A = arith.remsi %add3A, %select_n3A : i32
    %ne3A = arith.constant 0 : i32
    %ne3A_3 = arith.cmpi ne, %rem3A, %ne3A : i32
    %lt3A = arith.constant 0 : i32
    %lt3A_4 = arith.cmpi slt, %rem3A, %lt3A : i32
    %lt3A_5 = arith.constant 0 : i32
    %lt3A_6 = arith.cmpi slt, %select_n3A, %lt3A_5 : i32
    %ne3A_7 = arith.xori %lt3A_4, %lt3A_6 : i1
    %and3A = arith.andi %ne3A_7, %ne3A_3 : i1
    %add3A_8 = arith.addi %rem3A, %select_n3A : i32
    %select_n3A_9 = arith.select %and3A, %add3A_8, %rem3A : i32
    %mul3A_10 = arith.constant 8 : i32
    %mul3A_11 = arith.muli %select_n3A_9, %mul3A_10 : i32
    %jit3A_12 = arith.constant 8 : i32
    %div3A = arith.divsi %add3A, %jit3A_12 : i32
    %sign3A = arith.constant 0 : i32
    %sign3A_13 = arith.cmpi sgt, %add3A, %sign3A : i32
    %sign3A_14 = arith.extui %sign3A_13 : i1 to i32
    %sign3A_15 = arith.constant 0 : i32
    %sign3A_16 = arith.cmpi slt, %add3A, %sign3A_15 : i32
    %sign3A_17 = arith.extui %sign3A_16 : i1 to i32
    %sign3A_18 = arith.subi %sign3A_14, %sign3A_17 : i32
    %sign3A_19 = arith.constant 0 : i32
    %sign3A_20 = arith.cmpi sgt, %jit3A_12, %sign3A_19 : i32
    %sign3A_21 = arith.extui %sign3A_20 : i1 to i32
    %sign3A_22 = arith.constant 0 : i32
    %sign3A_23 = arith.cmpi slt, %jit3A_12, %sign3A_22 : i32
    %sign3A_24 = arith.extui %sign3A_23 : i1 to i32
    %sign3A_25 = arith.subi %sign3A_21, %sign3A_24 : i32
    %ne3A_26 = arith.cmpi ne, %sign3A_18, %sign3A_25 : i32
    %rem3A_27 = arith.remsi %add3A, %jit3A_12 : i32
    %ne3A_28 = arith.constant 0 : i32
    %ne3A_29 = arith.cmpi ne, %rem3A_27, %ne3A_28 : i32
    %and3A_30 = arith.andi %ne3A_26, %ne3A_29 : i1
    %sub3A = arith.constant 1 : i32
    %sub3A_31 = arith.subi %div3A, %sub3A : i32
    %select_n3A_32 = arith.select %and3A_30, %sub3A_31, %div3A : i32
    %mul3A_33 = arith.constant 1024 : i32
    %mul3A_34 = arith.muli %select_n3A_32, %mul3A_33 : i32
    %dma_start3A = arith.constant 0 : i32
    %dma_start3A_35 = arith.constant 0 : i32
    %dma_start3A_36 = arith.constant 0 : i32
    %dma_start3A_37 = tpu.memref_slice %arg4[%dma_start3A_35, %dma_start3A_36] : memref<80x1024xf32, #tpu.memory_space<vmem>> -> memref<8x1024xf32, #tpu.memory_space<vmem>>
    %dma_start3A_38 = tpu.memref_slice %arg2[%dma_start3A, %mul3A_11, %mul3A_34] : memref<200x64x4096xf32, #tpu.memory_space<hbm>> -> memref<1x8x1024xf32, #tpu.memory_space<hbm>>
    %dma_start3A_39 = tpu.memref_squeeze %dma_start3A_38 : memref<1x8x1024xf32, #tpu.memory_space<hbm>> -> memref<8x1024xf32, #tpu.memory_space<hbm>>
    %dma_start3A_40 = arith.constant 0 : i32
    %dma_start3A_41 = arith.constant 0 : i32
    %dma_start3A_42 = tpu.memref_slice %arg4[%dma_start3A_40, %dma_start3A_41] : memref<80x1024xf32, #tpu.memory_space<vmem>> -> memref<8x1024xf32, #tpu.memory_space<vmem>>
    %dma_start3A_43 = tpu.memref_slice %arg2[%dma_start3A, %mul3A_11, %mul3A_34] : memref<200x64x4096xf32, #tpu.memory_space<hbm>> -> memref<1x8x1024xf32, #tpu.memory_space<hbm>>
    %dma_start3A_44 = tpu.memref_squeeze %dma_start3A_43 : memref<1x8x1024xf32, #tpu.memory_space<hbm>> -> memref<8x1024xf32, #tpu.memory_space<hbm>>
    tpu.enqueue_dma source(%dma_start3A_44 : memref<8x1024xf32, #tpu.memory_space<hbm>>) target(%dma_start3A_42 : memref<8x1024xf32, #tpu.memory_space<vmem>>) target_semaphore(%arg5 : memref<!tpu.dma_semaphore, #tpu.memory_space<semaphore_mem>>)
    %dma_start3A_45 = arith.constant 1 : i32
    %dma_start3A_46 = arith.constant 8 : i32
    %dma_start3A_47 = arith.constant 0 : i32
    %dma_start3A_48 = tpu.memref_slice %arg4[%dma_start3A_46, %dma_start3A_47] : memref<80x1024xf32, #tpu.memory_space<vmem>> -> memref<8x1024xf32, #tpu.memory_space<vmem>>
    %dma_start3A_49 = tpu.memref_slice %arg2[%dma_start3A_45, %mul3A_11, %mul3A_34] : memref<200x64x4096xf32, #tpu.memory_space<hbm>> -> memref<1x8x1024xf32, #tpu.memory_space<hbm>>
    %dma_start3A_50 = tpu.memref_squeeze %dma_start3A_49 : memref<1x8x1024xf32, #tpu.memory_space<hbm>> -> memref<8x1024xf32, #tpu.memory_space<hbm>>
    %dma_start3A_51 = arith.constant 8 : i32
    %dma_start3A_52 = arith.constant 0 : i32
    %dma_start3A_53 = tpu.memref_slice %arg4[%dma_start3A_51, %dma_start3A_52] : memref<80x1024xf32, #tpu.memory_space<vmem>> -> memref<8x1024xf32, #tpu.memory_space<vmem>>
    %dma_start3A_54 = tpu.memref_slice %arg2[%dma_start3A_45, %mul3A_11, %mul3A_34] : memref<200x64x4096xf32, #tpu.memory_space<hbm>> -> memref<1x8x1024xf32, #tpu.memory_space<hbm>>
    %dma_start3A_55 = tpu.memref_squeeze %dma_start3A_54 : memref<1x8x1024xf32, #tpu.memory_space<hbm>> -> memref<8x1024xf32, #tpu.memory_space<hbm>>
    tpu.enqueue_dma source(%dma_start3A_55 : memref<8x1024xf32, #tpu.memory_space<hbm>>) target(%dma_start3A_53 : memref<8x1024xf32, #tpu.memory_space<vmem>>) target_semaphore(%arg6 : memref<!tpu.dma_semaphore, #tpu.memory_space<semaphore_mem>>)
    %dma_start3A_56 = arith.constant 2 : i32
    %dma_start3A_57 = arith.constant 16 : i32
    %dma_start3A_58 = arith.constant 0 : i32
    %dma_start3A_59 = tpu.memref_slice %arg4[%dma_start3A_57, %dma_start3A_58] : memref<80x1024xf32, #tpu.memory_space<vmem>> -> memref<8x1024xf32, #tpu.memory_space<vmem>>
    %dma_start3A_60 = tpu.memref_slice %arg2[%dma_start3A_56, %mul3A_11, %mul3A_34] : memref<200x64x4096xf32, #tpu.memory_space<hbm>> -> memref<1x8x1024xf32, #tpu.memory_space<hbm>>
    %dma_start3A_61 = tpu.memref_squeeze %dma_start3A_60 : memref<1x8x1024xf32, #tpu.memory_space<hbm>> -> memref<8x1024xf32, #tpu.memory_space<hbm>>
    %dma_start3A_62 = arith.constant 16 : i32
    %dma_start3A_63 = arith.constant 0 : i32
    %dma_start3A_64 = tpu.memref_slice %arg4[%dma_start3A_62, %dma_start3A_63] : memref<80x1024xf32, #tpu.memory_space<vmem>> -> memref<8x1024xf32, #tpu.memory_space<vmem>>
    %dma_start3A_65 = tpu.memref_slice %arg2[%dma_start3A_56, %mul3A_11, %mul3A_34] : memref<200x64x4096xf32, #tpu.memory_space<hbm>> -> memref<1x8x1024xf32, #tpu.memory_space<hbm>>
    %dma_start3A_66 = tpu.memref_squeeze %dma_start3A_65 : memref<1x8x1024xf32, #tpu.memory_space<hbm>> -> memref<8x1024xf32, #tpu.memory_space<hbm>>
    tpu.enqueue_dma source(%dma_start3A_66 : memref<8x1024xf32, #tpu.memory_space<hbm>>) target(%dma_start3A_64 : memref<8x1024xf32, #tpu.memory_space<vmem>>) target_semaphore(%arg7 : memref<!tpu.dma_semaphore, #tpu.memory_space<semaphore_mem>>)
    %dma_start3A_67 = arith.constant 3 : i32
    %dma_start3A_68 = arith.constant 24 : i32
    %dma_start3A_69 = arith.constant 0 : i32
    %dma_start3A_70 = tpu.memref_slice %arg4[%dma_start3A_68, %dma_start3A_69] : memref<80x1024xf32, #tpu.memory_space<vmem>> -> memref<8x1024xf32, #tpu.memory_space<vmem>>
    %dma_start3A_71 = tpu.memref_slice %arg2[%dma_start3A_67, %mul3A_11, %mul3A_34] : memref<200x64x4096xf32, #tpu.memory_space<hbm>> -> memref<1x8x1024xf32, #tpu.memory_space<hbm>>
    %dma_start3A_72 = tpu.memref_squeeze %dma_start3A_71 : memref<1x8x1024xf32, #tpu.memory_space<hbm>> -> memref<8x1024xf32, #tpu.memory_space<hbm>>
    %dma_start3A_73 = arith.constant 24 : i32
    %dma_start3A_74 = arith.constant 0 : i32
    %dma_start3A_75 = tpu.memref_slice %arg4[%dma_start3A_73, %dma_start3A_74] : memref<80x1024xf32, #tpu.memory_space<vmem>> -> memref<8x1024xf32, #tpu.memory_space<vmem>>
    %dma_start3A_76 = tpu.memref_slice %arg2[%dma_start3A_67, %mul3A_11, %mul3A_34] : memref<200x64x4096xf32, #tpu.memory_space<hbm>> -> memref<1x8x1024xf32, #tpu.memory_space<hbm>>
    %dma_start3A_77 = tpu.memref_squeeze %dma_start3A_76 : memref<1x8x1024xf32, #tpu.memory_space<hbm>> -> memref<8x1024xf32, #tpu.memory_space<hbm>>
    tpu.enqueue_dma source(%dma_start3A_77 : memref<8x1024xf32, #tpu.memory_space<hbm>>) target(%dma_start3A_75 : memref<8x1024xf32, #tpu.memory_space<vmem>>) target_semaphore(%arg8 : memref<!tpu.dma_semaphore, #tpu.memory_space<semaphore_mem>>)
    %dma_start3A_78 = arith.constant 4 : i32
    %dma_start3A_79 = arith.constant 32 : i32
    %dma_start3A_80 = arith.constant 0 : i32
    %dma_start3A_81 = tpu.memref_slice %arg4[%dma_start3A_79, %dma_start3A_80] : memref<80x1024xf32, #tpu.memory_space<vmem>> -> memref<8x1024xf32, #tpu.memory_space<vmem>>
    %dma_start3A_82 = tpu.memref_slice %arg2[%dma_start3A_78, %mul3A_11, %mul3A_34] : memref<200x64x4096xf32, #tpu.memory_space<hbm>> -> memref<1x8x1024xf32, #tpu.memory_space<hbm>>
    %dma_start3A_83 = tpu.memref_squeeze %dma_start3A_82 : memref<1x8x1024xf32, #tpu.memory_space<hbm>> -> memref<8x1024xf32, #tpu.memory_space<hbm>>
    %dma_start3A_84 = arith.constant 32 : i32
    %dma_start3A_85 = arith.constant 0 : i32
    %dma_start3A_86 = tpu.memref_slice %arg4[%dma_start3A_84, %dma_start3A_85] : memref<80x1024xf32, #tpu.memory_space<vmem>> -> memref<8x1024xf32, #tpu.memory_space<vmem>>
    %dma_start3A_87 = tpu.memref_slice %arg2[%dma_start3A_78, %mul3A_11, %mul3A_34] : memref<200x64x4096xf32, #tpu.memory_space<hbm>> -> memref<1x8x1024xf32, #tpu.memory_space<hbm>>
    %dma_start3A_88 = tpu.memref_squeeze %dma_start3A_87 : memref<1x8x1024xf32, #tpu.memory_space<hbm>> -> memref<8x1024xf32, #tpu.memory_space<hbm>>
    tpu.enqueue_dma source(%dma_start3A_88 : memref<8x1024xf32, #tpu.memory_space<hbm>>) target(%dma_start3A_86 : memref<8x1024xf32, #tpu.memory_space<vmem>>) target_semaphore(%arg9 : memref<!tpu.dma_semaphore, #tpu.memory_space<semaphore_mem>>)
    %dma_start3A_89 = arith.constant 5 : i32
    %dma_start3A_90 = arith.constant 40 : i32
    %dma_start3A_91 = arith.constant 0 : i32
    %dma_start3A_92 = tpu.memref_slice %arg4[%dma_start3A_90, %dma_start3A_91] : memref<80x1024xf32, #tpu.memory_space<vmem>> -> memref<8x1024xf32, #tpu.memory_space<vmem>>
    %dma_start3A_93 = tpu.memref_slice %arg2[%dma_start3A_89, %mul3A_11, %mul3A_34] : memref<200x64x4096xf32, #tpu.memory_space<hbm>> -> memref<1x8x1024xf32, #tpu.memory_space<hbm>>
    %dma_start3A_94 = tpu.memref_squeeze %dma_start3A_93 : memref<1x8x1024xf32, #tpu.memory_space<hbm>> -> memref<8x1024xf32, #tpu.memory_space<hbm>>
    %dma_start3A_95 = arith.constant 40 : i32
    %dma_start3A_96 = arith.constant 0 : i32
    %dma_start3A_97 = tpu.memref_slice %arg4[%dma_start3A_95, %dma_start3A_96] : memref<80x1024xf32, #tpu.memory_space<vmem>> -> memref<8x1024xf32, #tpu.memory_space<vmem>>
    %dma_start3A_98 = tpu.memref_slice %arg2[%dma_start3A_89, %mul3A_11, %mul3A_34] : memref<200x64x4096xf32, #tpu.memory_space<hbm>> -> memref<1x8x1024xf32, #tpu.memory_space<hbm>>
    %dma_start3A_99 = tpu.memref_squeeze %dma_start3A_98 : memref<1x8x1024xf32, #tpu.memory_space<hbm>> -> memref<8x1024xf32, #tpu.memory_space<hbm>>
    tpu.enqueue_dma source(%dma_start3A_99 : memref<8x1024xf32, #tpu.memory_space<hbm>>) target(%dma_start3A_97 : memref<8x1024xf32, #tpu.memory_space<vmem>>) target_semaphore(%arg10 : memref<!tpu.dma_semaphore, #tpu.memory_space<semaphore_mem>>)
    %scan3A = arith.constant 0 : i32
    %scan3A_100 = arith.constant 20 : i32
    %scan3A_101 = arith.addi %scan3A, %scan3A_100 : i32
    %scan3A_102 = arith.constant 1 : i32
    scf.for %scan3A_334 = %scan3A to %scan3A_101 step %scan3A_102  : i32 {
      %mul3A_335 = arith.constant 10 : i32
      %mul3A_336 = arith.muli %scan3A_334, %mul3A_335 : i32
      %add3A_337 = arith.constant 0 : i32
      %add3A_338 = arith.addi %mul3A_336, %add3A_337 : i32
      %dma_wait3A_339 = arith.constant 0 : i32
      %dma_wait3A_340 = arith.constant 0 : i32
      %dma_wait3A_341 = tpu.memref_slice %arg4[%dma_wait3A_339, %dma_wait3A_340] : memref<80x1024xf32, #tpu.memory_space<vmem>> -> memref<8x1024xf32, #tpu.memory_space<vmem>>
      %dma_wait3A_342 = tpu.memref_slice %arg2[%add3A_338, %mul3A_11, %mul3A_34] : memref<200x64x4096xf32, #tpu.memory_space<hbm>> -> memref<1x8x1024xf32, #tpu.memory_space<hbm>>
      %dma_wait3A_343 = tpu.memref_squeeze %dma_wait3A_342 : memref<1x8x1024xf32, #tpu.memory_space<hbm>> -> memref<8x1024xf32, #tpu.memory_space<hbm>>
      %dma_wait3A_344 = arith.constant 0 : i32
      %dma_wait3A_345 = arith.constant 0 : i32
      %dma_wait3A_346 = tpu.memref_slice %arg4[%dma_wait3A_344, %dma_wait3A_345] : memref<80x1024xf32, #tpu.memory_space<vmem>> -> memref<8x1024xf32, #tpu.memory_space<vmem>>
      %dma_wait3A_347 = tpu.memref_slice %arg2[%add3A_338, %mul3A_11, %mul3A_34] : memref<200x64x4096xf32, #tpu.memory_space<hbm>> -> memref<1x8x1024xf32, #tpu.memory_space<hbm>>
      %dma_wait3A_348 = tpu.memref_squeeze %dma_wait3A_347 : memref<1x8x1024xf32, #tpu.memory_space<hbm>> -> memref<8x1024xf32, #tpu.memory_space<hbm>>
      tpu.wait_dma2 semaphore(%arg5 : memref<!tpu.dma_semaphore, #tpu.memory_space<semaphore_mem>>) src(%dma_wait3A_348 : memref<8x1024xf32, #tpu.memory_space<hbm>>) dst(%dma_wait3A_346 : memref<8x1024xf32, #tpu.memory_space<vmem>>)
      %mul3A_349 = arith.constant 21 : i32
      %mul3A_350 = arith.muli %scan3A_334, %mul3A_349 : i32
      %add3A_351 = arith.constant 0 : i32
      %add3A_352 = arith.addi %mul3A_350, %add3A_351 : i32
      %add3A_353 = arith.constant 0 : i32
      %add3A_354 = arith.addi %add3A_352, %add3A_353 : i32
      %dma_start3A_355 = arith.constant 0 : i32
      %dma_start3A_356 = arith.constant 0 : i32
      %dma_start3A_357 = tpu.memref_slice %arg4[%dma_start3A_355, %dma_start3A_356] : memref<80x1024xf32, #tpu.memory_space<vmem>> -> memref<8x1024xf32, #tpu.memory_space<vmem>>
      %dma_start3A_358 = tpu.memref_slice %arg3[%add3A_354, %mul3A_11, %mul3A_34] : memref<420x64x4096xf32, #tpu.memory_space<hbm>> -> memref<1x8x1024xf32, #tpu.memory_space<hbm>>
      %dma_start3A_359 = tpu.memref_squeeze %dma_start3A_358 : memref<1x8x1024xf32, #tpu.memory_space<hbm>> -> memref<8x1024xf32, #tpu.memory_space<hbm>>
      %dma_start3A_360 = tpu.memref_slice %arg3[%add3A_354, %mul3A_11, %mul3A_34] : memref<420x64x4096xf32, #tpu.memory_space<hbm>> -> memref<1x8x1024xf32, #tpu.memory_space<hbm>>
      %dma_start3A_361 = tpu.memref_squeeze %dma_start3A_360 : memref<1x8x1024xf32, #tpu.memory_space<hbm>> -> memref<8x1024xf32, #tpu.memory_space<hbm>>
      %dma_start3A_362 = arith.constant 0 : i32
      %dma_start3A_363 = arith.constant 0 : i32
      %dma_start3A_364 = tpu.memref_slice %arg4[%dma_start3A_362, %dma_start3A_363] : memref<80x1024xf32, #tpu.memory_space<vmem>> -> memref<8x1024xf32, #tpu.memory_space<vmem>>
      tpu.enqueue_dma source(%dma_start3A_364 : memref<8x1024xf32, #tpu.memory_space<vmem>>) target(%dma_start3A_361 : memref<8x1024xf32, #tpu.memory_space<hbm>>) target_semaphore(%arg15 : memref<!tpu.dma_semaphore, #tpu.memory_space<semaphore_mem>>)
      %add3A_365 = arith.constant 1 : i32
      %add3A_366 = arith.addi %add3A_352, %add3A_365 : i32
      %dma_start3A_367 = arith.constant 0 : i32
      %dma_start3A_368 = arith.constant 0 : i32
      %dma_start3A_369 = tpu.memref_slice %arg4[%dma_start3A_367, %dma_start3A_368] : memref<80x1024xf32, #tpu.memory_space<vmem>> -> memref<8x1024xf32, #tpu.memory_space<vmem>>
      %dma_start3A_370 = tpu.memref_slice %arg3[%add3A_366, %mul3A_11, %mul3A_34] : memref<420x64x4096xf32, #tpu.memory_space<hbm>> -> memref<1x8x1024xf32, #tpu.memory_space<hbm>>
      %dma_start3A_371 = tpu.memref_squeeze %dma_start3A_370 : memref<1x8x1024xf32, #tpu.memory_space<hbm>> -> memref<8x1024xf32, #tpu.memory_space<hbm>>
      %dma_start3A_372 = tpu.memref_slice %arg3[%add3A_366, %mul3A_11, %mul3A_34] : memref<420x64x4096xf32, #tpu.memory_space<hbm>> -> memref<1x8x1024xf32, #tpu.memory_space<hbm>>
      %dma_start3A_373 = tpu.memref_squeeze %dma_start3A_372 : memref<1x8x1024xf32, #tpu.memory_space<hbm>> -> memref<8x1024xf32, #tpu.memory_space<hbm>>
      %dma_start3A_374 = arith.constant 0 : i32
      %dma_start3A_375 = arith.constant 0 : i32
      %dma_start3A_376 = tpu.memref_slice %arg4[%dma_start3A_374, %dma_start3A_375] : memref<80x1024xf32, #tpu.memory_space<vmem>> -> memref<8x1024xf32, #tpu.memory_space<vmem>>
      tpu.enqueue_dma source(%dma_start3A_376 : memref<8x1024xf32, #tpu.memory_space<vmem>>) target(%dma_start3A_373 : memref<8x1024xf32, #tpu.memory_space<hbm>>) target_semaphore(%arg15 : memref<!tpu.dma_semaphore, #tpu.memory_space<semaphore_mem>>)
      %add3A_377 = arith.constant 6 : i32
      %add3A_378 = arith.addi %add3A_338, %add3A_377 : i32
      %sub3A_379 = arith.constant 10 : i32
      %sub3A_380 = arith.subi %add3A_378, %sub3A_379 : i32
      %lt3A_381 = arith.constant 200 : i32
      %lt3A_382 = arith.cmpi slt, %add3A_378, %lt3A_381 : i32
      %convert_element_type3A = arith.extui %lt3A_382 : i1 to i32
      %cond3A = arith.constant 0 : i32
      %cond3A_383 = arith.cmpi ne, %convert_element_type3A, %cond3A : i32
      scf.if %cond3A_383 {
        %ge3A = arith.constant 0 : i32
        %ge3A_837 = arith.cmpi sge, %sub3A_380, %ge3A : i32
        %convert_element_type3A_838 = arith.extui %ge3A_837 : i1 to i32
        %cond3A_839 = arith.constant 0 : i32
        %cond3A_840 = arith.cmpi ne, %convert_element_type3A_838, %cond3A_839 : i32
        scf.if %cond3A_840 {
          %jit3A_851 = arith.constant 10 : i32
          %div3A_852 = arith.divsi %sub3A_380, %jit3A_851 : i32
          %sign3A_853 = arith.constant 0 : i32
          %sign3A_854 = arith.cmpi sgt, %sub3A_380, %sign3A_853 : i32
          %sign3A_855 = arith.extui %sign3A_854 : i1 to i32
          %sign3A_856 = arith.constant 0 : i32
          %sign3A_857 = arith.cmpi slt, %sub3A_380, %sign3A_856 : i32
          %sign3A_858 = arith.extui %sign3A_857 : i1 to i32
          %sign3A_859 = arith.subi %sign3A_855, %sign3A_858 : i32
          %sign3A_860 = arith.constant 0 : i32
          %sign3A_861 = arith.cmpi sgt, %jit3A_851, %sign3A_860 : i32
          %sign3A_862 = arith.extui %sign3A_861 : i1 to i32
          %sign3A_863 = arith.constant 0 : i32
          %sign3A_864 = arith.cmpi slt, %jit3A_851, %sign3A_863 : i32
          %sign3A_865 = arith.extui %sign3A_864 : i1 to i32
          %sign3A_866 = arith.subi %sign3A_862, %sign3A_865 : i32
          %ne3A_867 = arith.cmpi ne, %sign3A_859, %sign3A_866 : i32
          %rem3A_868 = arith.remsi %sub3A_380, %jit3A_851 : i32
          %ne3A_869 = arith.constant 0 : i32
          %ne3A_870 = arith.cmpi ne, %rem3A_868, %ne3A_869 : i32
          %and3A_871 = arith.andi %ne3A_867, %ne3A_870 : i1
          %sub3A_872 = arith.constant 1 : i32
          %sub3A_873 = arith.subi %div3A_852, %sub3A_872 : i32
          %select_n3A_874 = arith.select %and3A_871, %sub3A_873, %div3A_852 : i32
          %mul3A_875 = arith.constant 21 : i32
          %mul3A_876 = arith.muli %select_n3A_874, %mul3A_875 : i32
          %add3A_877 = arith.constant 13 : i32
          %add3A_878 = arith.addi %mul3A_876, %add3A_877 : i32
          %add3A_879 = arith.constant 0 : i32
          %add3A_880 = arith.addi %add3A_878, %add3A_879 : i32
          %dma_wait3A_881 = arith.constant 48 : i32
          %dma_wait3A_882 = arith.constant 0 : i32
          %dma_wait3A_883 = tpu.memref_slice %arg4[%dma_wait3A_881, %dma_wait3A_882] : memref<80x1024xf32, #tpu.memory_space<vmem>> -> memref<8x1024xf32, #tpu.memory_space<vmem>>
          %dma_wait3A_884 = tpu.memref_slice %arg3[%add3A_880, %mul3A_11, %mul3A_34] : memref<420x64x4096xf32, #tpu.memory_space<hbm>> -> memref<1x8x1024xf32, #tpu.memory_space<hbm>>
          %dma_wait3A_885 = tpu.memref_squeeze %dma_wait3A_884 : memref<1x8x1024xf32, #tpu.memory_space<hbm>> -> memref<8x1024xf32, #tpu.memory_space<hbm>>
          %dma_wait3A_886 = tpu.memref_slice %arg3[%add3A_880, %mul3A_11, %mul3A_34] : memref<420x64x4096xf32, #tpu.memory_space<hbm>> -> memref<1x8x1024xf32, #tpu.memory_space<hbm>>
          %dma_wait3A_887 = tpu.memref_squeeze %dma_wait3A_886 : memref<1x8x1024xf32, #tpu.memory_space<hbm>> -> memref<8x1024xf32, #tpu.memory_space<hbm>>
          %dma_wait3A_888 = arith.constant 48 : i32
          %dma_wait3A_889 = arith.constant 0 : i32
          %dma_wait3A_890 = tpu.memref_slice %arg4[%dma_wait3A_888, %dma_wait3A_889] : memref<80x1024xf32, #tpu.memory_space<vmem>> -> memref<8x1024xf32, #tpu.memory_space<vmem>>
          tpu.wait_dma2 semaphore(%arg21 : memref<!tpu.dma_semaphore, #tpu.memory_space<semaphore_mem>>) src(%dma_wait3A_890 : memref<8x1024xf32, #tpu.memory_space<vmem>>) dst(%dma_wait3A_887 : memref<8x1024xf32, #tpu.memory_space<hbm>>)
          %add3A_891 = arith.constant 1 : i32
          %add3A_892 = arith.addi %add3A_878, %add3A_891 : i32
          %dma_wait3A_893 = arith.constant 48 : i32
          %dma_wait3A_894 = arith.constant 0 : i32
          %dma_wait3A_895 = tpu.memref_slice %arg4[%dma_wait3A_893, %dma_wait3A_894] : memref<80x1024xf32, #tpu.memory_space<vmem>> -> memref<8x1024xf32, #tpu.memory_space<vmem>>
          %dma_wait3A_896 = tpu.memref_slice %arg3[%add3A_892, %mul3A_11, %mul3A_34] : memref<420x64x4096xf32, #tpu.memory_space<hbm>> -> memref<1x8x1024xf32, #tpu.memory_space<hbm>>
          %dma_wait3A_897 = tpu.memref_squeeze %dma_wait3A_896 : memref<1x8x1024xf32, #tpu.memory_space<hbm>> -> memref<8x1024xf32, #tpu.memory_space<hbm>>
          %dma_wait3A_898 = tpu.memref_slice %arg3[%add3A_892, %mul3A_11, %mul3A_34] : memref<420x64x4096xf32, #tpu.memory_space<hbm>> -> memref<1x8x1024xf32, #tpu.memory_space<hbm>>
          %dma_wait3A_899 = tpu.memref_squeeze %dma_wait3A_898 : memref<1x8x1024xf32, #tpu.memory_space<hbm>> -> memref<8x1024xf32, #tpu.memory_space<hbm>>
          %dma_wait3A_900 = arith.constant 48 : i32
          %dma_wait3A_901 = arith.constant 0 : i32
          %dma_wait3A_902 = tpu.memref_slice %arg4[%dma_wait3A_900, %dma_wait3A_901] : memref<80x1024xf32, #tpu.memory_space<vmem>> -> memref<8x1024xf32, #tpu.memory_space<vmem>>
          tpu.wait_dma2 semaphore(%arg21 : memref<!tpu.dma_semaphore, #tpu.memory_space<semaphore_mem>>) src(%dma_wait3A_902 : memref<8x1024xf32, #tpu.memory_space<vmem>>) dst(%dma_wait3A_899 : memref<8x1024xf32, #tpu.memory_space<hbm>>)
        } else {
        }
        %dma_start3A_841 = arith.constant 48 : i32
        %dma_start3A_842 = arith.constant 0 : i32
        %dma_start3A_843 = tpu.memref_slice %arg4[%dma_start3A_841, %dma_start3A_842] : memref<80x1024xf32, #tpu.memory_space<vmem>> -> memref<8x1024xf32, #tpu.memory_space<vmem>>
        %dma_start3A_844 = tpu.memref_slice %arg2[%add3A_378, %mul3A_11, %mul3A_34] : memref<200x64x4096xf32, #tpu.memory_space<hbm>> -> memref<1x8x1024xf32, #tpu.memory_space<hbm>>
        %dma_start3A_845 = tpu.memref_squeeze %dma_start3A_844 : memref<1x8x1024xf32, #tpu.memory_space<hbm>> -> memref<8x1024xf32, #tpu.memory_space<hbm>>
        %dma_start3A_846 = arith.constant 48 : i32
        %dma_start3A_847 = arith.constant 0 : i32
        %dma_start3A_848 = tpu.memref_slice %arg4[%dma_start3A_846, %dma_start3A_847] : memref<80x1024xf32, #tpu.memory_space<vmem>> -> memref<8x1024xf32, #tpu.memory_space<vmem>>
        %dma_start3A_849 = tpu.memref_slice %arg2[%add3A_378, %mul3A_11, %mul3A_34] : memref<200x64x4096xf32, #tpu.memory_space<hbm>> -> memref<1x8x1024xf32, #tpu.memory_space<hbm>>
        %dma_start3A_850 = tpu.memref_squeeze %dma_start3A_849 : memref<1x8x1024xf32, #tpu.memory_space<hbm>> -> memref<8x1024xf32, #tpu.memory_space<hbm>>
        tpu.enqueue_dma source(%dma_start3A_850 : memref<8x1024xf32, #tpu.memory_space<hbm>>) target(%dma_start3A_848 : memref<8x1024xf32, #tpu.memory_space<vmem>>) target_semaphore(%arg11 : memref<!tpu.dma_semaphore, #tpu.memory_space<semaphore_mem>>)
      } else {
      }
      %add3A_384 = arith.constant 1 : i32
      %add3A_385 = arith.addi %mul3A_336, %add3A_384 : i32
      %dma_wait3A_386 = arith.constant 8 : i32
      %dma_wait3A_387 = arith.constant 0 : i32
      %dma_wait3A_388 = tpu.memref_slice %arg4[%dma_wait3A_386, %dma_wait3A_387] : memref<80x1024xf32, #tpu.memory_space<vmem>> -> memref<8x1024xf32, #tpu.memory_space<vmem>>
      %dma_wait3A_389 = tpu.memref_slice %arg2[%add3A_385, %mul3A_11, %mul3A_34] : memref<200x64x4096xf32, #tpu.memory_space<hbm>> -> memref<1x8x1024xf32, #tpu.memory_space<hbm>>
      %dma_wait3A_390 = tpu.memref_squeeze %dma_wait3A_389 : memref<1x8x1024xf32, #tpu.memory_space<hbm>> -> memref<8x1024xf32, #tpu.memory_space<hbm>>
      %dma_wait3A_391 = arith.constant 8 : i32
      %dma_wait3A_392 = arith.constant 0 : i32
      %dma_wait3A_393 = tpu.memref_slice %arg4[%dma_wait3A_391, %dma_wait3A_392] : memref<80x1024xf32, #tpu.memory_space<vmem>> -> memref<8x1024xf32, #tpu.memory_space<vmem>>
      %dma_wait3A_394 = tpu.memref_slice %arg2[%add3A_385, %mul3A_11, %mul3A_34] : memref<200x64x4096xf32, #tpu.memory_space<hbm>> -> memref<1x8x1024xf32, #tpu.memory_space<hbm>>
      %dma_wait3A_395 = tpu.memref_squeeze %dma_wait3A_394 : memref<1x8x1024xf32, #tpu.memory_space<hbm>> -> memref<8x1024xf32, #tpu.memory_space<hbm>>
      tpu.wait_dma2 semaphore(%arg6 : memref<!tpu.dma_semaphore, #tpu.memory_space<semaphore_mem>>) src(%dma_wait3A_395 : memref<8x1024xf32, #tpu.memory_space<hbm>>) dst(%dma_wait3A_393 : memref<8x1024xf32, #tpu.memory_space<vmem>>)
      %mul3A_396 = arith.constant 21 : i32
      %mul3A_397 = arith.muli %scan3A_334, %mul3A_396 : i32
      %add3A_398 = arith.constant 2 : i32
      %add3A_399 = arith.addi %mul3A_397, %add3A_398 : i32
      %add3A_400 = arith.constant 0 : i32
      %add3A_401 = arith.addi %add3A_399, %add3A_400 : i32
      %dma_start3A_402 = arith.constant 8 : i32
      %dma_start3A_403 = arith.constant 0 : i32
      %dma_start3A_404 = tpu.memref_slice %arg4[%dma_start3A_402, %dma_start3A_403] : memref<80x1024xf32, #tpu.memory_space<vmem>> -> memref<8x1024xf32, #tpu.memory_space<vmem>>
      %dma_start3A_405 = tpu.memref_slice %arg3[%add3A_401, %mul3A_11, %mul3A_34] : memref<420x64x4096xf32, #tpu.memory_space<hbm>> -> memref<1x8x1024xf32, #tpu.memory_space<hbm>>
      %dma_start3A_406 = tpu.memref_squeeze %dma_start3A_405 : memref<1x8x1024xf32, #tpu.memory_space<hbm>> -> memref<8x1024xf32, #tpu.memory_space<hbm>>
      %dma_start3A_407 = tpu.memref_slice %arg3[%add3A_401, %mul3A_11, %mul3A_34] : memref<420x64x4096xf32, #tpu.memory_space<hbm>> -> memref<1x8x1024xf32, #tpu.memory_space<hbm>>
      %dma_start3A_408 = tpu.memref_squeeze %dma_start3A_407 : memref<1x8x1024xf32, #tpu.memory_space<hbm>> -> memref<8x1024xf32, #tpu.memory_space<hbm>>
      %dma_start3A_409 = arith.constant 8 : i32
      %dma_start3A_410 = arith.constant 0 : i32
      %dma_start3A_411 = tpu.memref_slice %arg4[%dma_start3A_409, %dma_start3A_410] : memref<80x1024xf32, #tpu.memory_space<vmem>> -> memref<8x1024xf32, #tpu.memory_space<vmem>>
      tpu.enqueue_dma source(%dma_start3A_411 : memref<8x1024xf32, #tpu.memory_space<vmem>>) target(%dma_start3A_408 : memref<8x1024xf32, #tpu.memory_space<hbm>>) target_semaphore(%arg16 : memref<!tpu.dma_semaphore, #tpu.memory_space<semaphore_mem>>)
      %add3A_412 = arith.constant 1 : i32
      %add3A_413 = arith.addi %add3A_399, %add3A_412 : i32
      %dma_start3A_414 = arith.constant 8 : i32
      %dma_start3A_415 = arith.constant 0 : i32
      %dma_start3A_416 = tpu.memref_slice %arg4[%dma_start3A_414, %dma_start3A_415] : memref<80x1024xf32, #tpu.memory_space<vmem>> -> memref<8x1024xf32, #tpu.memory_space<vmem>>
      %dma_start3A_417 = tpu.memref_slice %arg3[%add3A_413, %mul3A_11, %mul3A_34] : memref<420x64x4096xf32, #tpu.memory_space<hbm>> -> memref<1x8x1024xf32, #tpu.memory_space<hbm>>
      %dma_start3A_418 = tpu.memref_squeeze %dma_start3A_417 : memref<1x8x1024xf32, #tpu.memory_space<hbm>> -> memref<8x1024xf32, #tpu.memory_space<hbm>>
      %dma_start3A_419 = tpu.memref_slice %arg3[%add3A_413, %mul3A_11, %mul3A_34] : memref<420x64x4096xf32, #tpu.memory_space<hbm>> -> memref<1x8x1024xf32, #tpu.memory_space<hbm>>
      %dma_start3A_420 = tpu.memref_squeeze %dma_start3A_419 : memref<1x8x1024xf32, #tpu.memory_space<hbm>> -> memref<8x1024xf32, #tpu.memory_space<hbm>>
      %dma_start3A_421 = arith.constant 8 : i32
      %dma_start3A_422 = arith.constant 0 : i32
      %dma_start3A_423 = tpu.memref_slice %arg4[%dma_start3A_421, %dma_start3A_422] : memref<80x1024xf32, #tpu.memory_space<vmem>> -> memref<8x1024xf32, #tpu.memory_space<vmem>>
      tpu.enqueue_dma source(%dma_start3A_423 : memref<8x1024xf32, #tpu.memory_space<vmem>>) target(%dma_start3A_420 : memref<8x1024xf32, #tpu.memory_space<hbm>>) target_semaphore(%arg16 : memref<!tpu.dma_semaphore, #tpu.memory_space<semaphore_mem>>)
      %add3A_424 = arith.constant 6 : i32
      %add3A_425 = arith.addi %add3A_385, %add3A_424 : i32
      %sub3A_426 = arith.constant 10 : i32
      %sub3A_427 = arith.subi %add3A_425, %sub3A_426 : i32
      %lt3A_428 = arith.constant 200 : i32
      %lt3A_429 = arith.cmpi slt, %add3A_425, %lt3A_428 : i32
      %convert_element_type3A_430 = arith.extui %lt3A_429 : i1 to i32
      %cond3A_431 = arith.constant 0 : i32
      %cond3A_432 = arith.cmpi ne, %convert_element_type3A_430, %cond3A_431 : i32
      scf.if %cond3A_432 {
        %ge3A = arith.constant 0 : i32
        %ge3A_837 = arith.cmpi sge, %sub3A_427, %ge3A : i32
        %convert_element_type3A_838 = arith.extui %ge3A_837 : i1 to i32
        %cond3A_839 = arith.constant 0 : i32
        %cond3A_840 = arith.cmpi ne, %convert_element_type3A_838, %cond3A_839 : i32
        scf.if %cond3A_840 {
          %jit3A_851 = arith.constant 10 : i32
          %div3A_852 = arith.divsi %sub3A_427, %jit3A_851 : i32
          %sign3A_853 = arith.constant 0 : i32
          %sign3A_854 = arith.cmpi sgt, %sub3A_427, %sign3A_853 : i32
          %sign3A_855 = arith.extui %sign3A_854 : i1 to i32
          %sign3A_856 = arith.constant 0 : i32
          %sign3A_857 = arith.cmpi slt, %sub3A_427, %sign3A_856 : i32
          %sign3A_858 = arith.extui %sign3A_857 : i1 to i32
          %sign3A_859 = arith.subi %sign3A_855, %sign3A_858 : i32
          %sign3A_860 = arith.constant 0 : i32
          %sign3A_861 = arith.cmpi sgt, %jit3A_851, %sign3A_860 : i32
          %sign3A_862 = arith.extui %sign3A_861 : i1 to i32
          %sign3A_863 = arith.constant 0 : i32
          %sign3A_864 = arith.cmpi slt, %jit3A_851, %sign3A_863 : i32
          %sign3A_865 = arith.extui %sign3A_864 : i1 to i32
          %sign3A_866 = arith.subi %sign3A_862, %sign3A_865 : i32
          %ne3A_867 = arith.cmpi ne, %sign3A_859, %sign3A_866 : i32
          %rem3A_868 = arith.remsi %sub3A_427, %jit3A_851 : i32
          %ne3A_869 = arith.constant 0 : i32
          %ne3A_870 = arith.cmpi ne, %rem3A_868, %ne3A_869 : i32
          %and3A_871 = arith.andi %ne3A_867, %ne3A_870 : i1
          %sub3A_872 = arith.constant 1 : i32
          %sub3A_873 = arith.subi %div3A_852, %sub3A_872 : i32
          %select_n3A_874 = arith.select %and3A_871, %sub3A_873, %div3A_852 : i32
          %mul3A_875 = arith.constant 21 : i32
          %mul3A_876 = arith.muli %select_n3A_874, %mul3A_875 : i32
          %add3A_877 = arith.constant 15 : i32
          %add3A_878 = arith.addi %mul3A_876, %add3A_877 : i32
          %add3A_879 = arith.constant 0 : i32
          %add3A_880 = arith.addi %add3A_878, %add3A_879 : i32
          %dma_wait3A_881 = arith.constant 56 : i32
          %dma_wait3A_882 = arith.constant 0 : i32
          %dma_wait3A_883 = tpu.memref_slice %arg4[%dma_wait3A_881, %dma_wait3A_882] : memref<80x1024xf32, #tpu.memory_space<vmem>> -> memref<8x1024xf32, #tpu.memory_space<vmem>>
          %dma_wait3A_884 = tpu.memref_slice %arg3[%add3A_880, %mul3A_11, %mul3A_34] : memref<420x64x4096xf32, #tpu.memory_space<hbm>> -> memref<1x8x1024xf32, #tpu.memory_space<hbm>>
          %dma_wait3A_885 = tpu.memref_squeeze %dma_wait3A_884 : memref<1x8x1024xf32, #tpu.memory_space<hbm>> -> memref<8x1024xf32, #tpu.memory_space<hbm>>
          %dma_wait3A_886 = tpu.memref_slice %arg3[%add3A_880, %mul3A_11, %mul3A_34] : memref<420x64x4096xf32, #tpu.memory_space<hbm>> -> memref<1x8x1024xf32, #tpu.memory_space<hbm>>
          %dma_wait3A_887 = tpu.memref_squeeze %dma_wait3A_886 : memref<1x8x1024xf32, #tpu.memory_space<hbm>> -> memref<8x1024xf32, #tpu.memory_space<hbm>>
          %dma_wait3A_888 = arith.constant 56 : i32
          %dma_wait3A_889 = arith.constant 0 : i32
          %dma_wait3A_890 = tpu.memref_slice %arg4[%dma_wait3A_888, %dma_wait3A_889] : memref<80x1024xf32, #tpu.memory_space<vmem>> -> memref<8x1024xf32, #tpu.memory_space<vmem>>
          tpu.wait_dma2 semaphore(%arg22 : memref<!tpu.dma_semaphore, #tpu.memory_space<semaphore_mem>>) src(%dma_wait3A_890 : memref<8x1024xf32, #tpu.memory_space<vmem>>) dst(%dma_wait3A_887 : memref<8x1024xf32, #tpu.memory_space<hbm>>)
          %add3A_891 = arith.constant 1 : i32
          %add3A_892 = arith.addi %add3A_878, %add3A_891 : i32
          %dma_wait3A_893 = arith.constant 56 : i32
          %dma_wait3A_894 = arith.constant 0 : i32
          %dma_wait3A_895 = tpu.memref_slice %arg4[%dma_wait3A_893, %dma_wait3A_894] : memref<80x1024xf32, #tpu.memory_space<vmem>> -> memref<8x1024xf32, #tpu.memory_space<vmem>>
          %dma_wait3A_896 = tpu.memref_slice %arg3[%add3A_892, %mul3A_11, %mul3A_34] : memref<420x64x4096xf32, #tpu.memory_space<hbm>> -> memref<1x8x1024xf32, #tpu.memory_space<hbm>>
          %dma_wait3A_897 = tpu.memref_squeeze %dma_wait3A_896 : memref<1x8x1024xf32, #tpu.memory_space<hbm>> -> memref<8x1024xf32, #tpu.memory_space<hbm>>
          %dma_wait3A_898 = tpu.memref_slice %arg3[%add3A_892, %mul3A_11, %mul3A_34] : memref<420x64x4096xf32, #tpu.memory_space<hbm>> -> memref<1x8x1024xf32, #tpu.memory_space<hbm>>
          %dma_wait3A_899 = tpu.memref_squeeze %dma_wait3A_898 : memref<1x8x1024xf32, #tpu.memory_space<hbm>> -> memref<8x1024xf32, #tpu.memory_space<hbm>>
          %dma_wait3A_900 = arith.constant 56 : i32
          %dma_wait3A_901 = arith.constant 0 : i32
          %dma_wait3A_902 = tpu.memref_slice %arg4[%dma_wait3A_900, %dma_wait3A_901] : memref<80x1024xf32, #tpu.memory_space<vmem>> -> memref<8x1024xf32, #tpu.memory_space<vmem>>
          tpu.wait_dma2 semaphore(%arg22 : memref<!tpu.dma_semaphore, #tpu.memory_space<semaphore_mem>>) src(%dma_wait3A_902 : memref<8x1024xf32, #tpu.memory_space<vmem>>) dst(%dma_wait3A_899 : memref<8x1024xf32, #tpu.memory_space<hbm>>)
        } else {
        }
        %dma_start3A_841 = arith.constant 56 : i32
        %dma_start3A_842 = arith.constant 0 : i32
        %dma_start3A_843 = tpu.memref_slice %arg4[%dma_start3A_841, %dma_start3A_842] : memref<80x1024xf32, #tpu.memory_space<vmem>> -> memref<8x1024xf32, #tpu.memory_space<vmem>>
        %dma_start3A_844 = tpu.memref_slice %arg2[%add3A_425, %mul3A_11, %mul3A_34] : memref<200x64x4096xf32, #tpu.memory_space<hbm>> -> memref<1x8x1024xf32, #tpu.memory_space<hbm>>
        %dma_start3A_845 = tpu.memref_squeeze %dma_start3A_844 : memref<1x8x1024xf32, #tpu.memory_space<hbm>> -> memref<8x1024xf32, #tpu.memory_space<hbm>>
        %dma_start3A_846 = arith.constant 56 : i32
        %dma_start3A_847 = arith.constant 0 : i32
        %dma_start3A_848 = tpu.memref_slice %arg4[%dma_start3A_846, %dma_start3A_847] : memref<80x1024xf32, #tpu.memory_space<vmem>> -> memref<8x1024xf32, #tpu.memory_space<vmem>>
        %dma_start3A_849 = tpu.memref_slice %arg2[%add3A_425, %mul3A_11, %mul3A_34] : memref<200x64x4096xf32, #tpu.memory_space<hbm>> -> memref<1x8x1024xf32, #tpu.memory_space<hbm>>
        %dma_start3A_850 = tpu.memref_squeeze %dma_start3A_849 : memref<1x8x1024xf32, #tpu.memory_space<hbm>> -> memref<8x1024xf32, #tpu.memory_space<hbm>>
        tpu.enqueue_dma source(%dma_start3A_850 : memref<8x1024xf32, #tpu.memory_space<hbm>>) target(%dma_start3A_848 : memref<8x1024xf32, #tpu.memory_space<vmem>>) target_semaphore(%arg12 : memref<!tpu.dma_semaphore, #tpu.memory_space<semaphore_mem>>)
      } else {
      }
      %add3A_433 = arith.constant 2 : i32
      %add3A_434 = arith.addi %mul3A_336, %add3A_433 : i32
      %dma_wait3A_435 = arith.constant 16 : i32
      %dma_wait3A_436 = arith.constant 0 : i32
      %dma_wait3A_437 = tpu.memref_slice %arg4[%dma_wait3A_435, %dma_wait3A_436] : memref<80x1024xf32, #tpu.memory_space<vmem>> -> memref<8x1024xf32, #tpu.memory_space<vmem>>
      %dma_wait3A_438 = tpu.memref_slice %arg2[%add3A_434, %mul3A_11, %mul3A_34] : memref<200x64x4096xf32, #tpu.memory_space<hbm>> -> memref<1x8x1024xf32, #tpu.memory_space<hbm>>
      %dma_wait3A_439 = tpu.memref_squeeze %dma_wait3A_438 : memref<1x8x1024xf32, #tpu.memory_space<hbm>> -> memref<8x1024xf32, #tpu.memory_space<hbm>>
      %dma_wait3A_440 = arith.constant 16 : i32
      %dma_wait3A_441 = arith.constant 0 : i32
      %dma_wait3A_442 = tpu.memref_slice %arg4[%dma_wait3A_440, %dma_wait3A_441] : memref<80x1024xf32, #tpu.memory_space<vmem>> -> memref<8x1024xf32, #tpu.memory_space<vmem>>
      %dma_wait3A_443 = tpu.memref_slice %arg2[%add3A_434, %mul3A_11, %mul3A_34] : memref<200x64x4096xf32, #tpu.memory_space<hbm>> -> memref<1x8x1024xf32, #tpu.memory_space<hbm>>
      %dma_wait3A_444 = tpu.memref_squeeze %dma_wait3A_443 : memref<1x8x1024xf32, #tpu.memory_space<hbm>> -> memref<8x1024xf32, #tpu.memory_space<hbm>>
      tpu.wait_dma2 semaphore(%arg7 : memref<!tpu.dma_semaphore, #tpu.memory_space<semaphore_mem>>) src(%dma_wait3A_444 : memref<8x1024xf32, #tpu.memory_space<hbm>>) dst(%dma_wait3A_442 : memref<8x1024xf32, #tpu.memory_space<vmem>>)
      %mul3A_445 = arith.constant 21 : i32
      %mul3A_446 = arith.muli %scan3A_334, %mul3A_445 : i32
      %add3A_447 = arith.constant 4 : i32
      %add3A_448 = arith.addi %mul3A_446, %add3A_447 : i32
      %add3A_449 = arith.constant 0 : i32
      %add3A_450 = arith.addi %add3A_448, %add3A_449 : i32
      %dma_start3A_451 = arith.constant 16 : i32
      %dma_start3A_452 = arith.constant 0 : i32
      %dma_start3A_453 = tpu.memref_slice %arg4[%dma_start3A_451, %dma_start3A_452] : memref<80x1024xf32, #tpu.memory_space<vmem>> -> memref<8x1024xf32, #tpu.memory_space<vmem>>
      %dma_start3A_454 = tpu.memref_slice %arg3[%add3A_450, %mul3A_11, %mul3A_34] : memref<420x64x4096xf32, #tpu.memory_space<hbm>> -> memref<1x8x1024xf32, #tpu.memory_space<hbm>>
      %dma_start3A_455 = tpu.memref_squeeze %dma_start3A_454 : memref<1x8x1024xf32, #tpu.memory_space<hbm>> -> memref<8x1024xf32, #tpu.memory_space<hbm>>
      %dma_start3A_456 = tpu.memref_slice %arg3[%add3A_450, %mul3A_11, %mul3A_34] : memref<420x64x4096xf32, #tpu.memory_space<hbm>> -> memref<1x8x1024xf32, #tpu.memory_space<hbm>>
      %dma_start3A_457 = tpu.memref_squeeze %dma_start3A_456 : memref<1x8x1024xf32, #tpu.memory_space<hbm>> -> memref<8x1024xf32, #tpu.memory_space<hbm>>
      %dma_start3A_458 = arith.constant 16 : i32
      %dma_start3A_459 = arith.constant 0 : i32
      %dma_start3A_460 = tpu.memref_slice %arg4[%dma_start3A_458, %dma_start3A_459] : memref<80x1024xf32, #tpu.memory_space<vmem>> -> memref<8x1024xf32, #tpu.memory_space<vmem>>
      tpu.enqueue_dma source(%dma_start3A_460 : memref<8x1024xf32, #tpu.memory_space<vmem>>) target(%dma_start3A_457 : memref<8x1024xf32, #tpu.memory_space<hbm>>) target_semaphore(%arg17 : memref<!tpu.dma_semaphore, #tpu.memory_space<semaphore_mem>>)
      %add3A_461 = arith.constant 1 : i32
      %add3A_462 = arith.addi %add3A_448, %add3A_461 : i32
      %dma_start3A_463 = arith.constant 16 : i32
      %dma_start3A_464 = arith.constant 0 : i32
      %dma_start3A_465 = tpu.memref_slice %arg4[%dma_start3A_463, %dma_start3A_464] : memref<80x1024xf32, #tpu.memory_space<vmem>> -> memref<8x1024xf32, #tpu.memory_space<vmem>>
      %dma_start3A_466 = tpu.memref_slice %arg3[%add3A_462, %mul3A_11, %mul3A_34] : memref<420x64x4096xf32, #tpu.memory_space<hbm>> -> memref<1x8x1024xf32, #tpu.memory_space<hbm>>
      %dma_start3A_467 = tpu.memref_squeeze %dma_start3A_466 : memref<1x8x1024xf32, #tpu.memory_space<hbm>> -> memref<8x1024xf32, #tpu.memory_space<hbm>>
      %dma_start3A_468 = tpu.memref_slice %arg3[%add3A_462, %mul3A_11, %mul3A_34] : memref<420x64x4096xf32, #tpu.memory_space<hbm>> -> memref<1x8x1024xf32, #tpu.memory_space<hbm>>
      %dma_start3A_469 = tpu.memref_squeeze %dma_start3A_468 : memref<1x8x1024xf32, #tpu.memory_space<hbm>> -> memref<8x1024xf32, #tpu.memory_space<hbm>>
      %dma_start3A_470 = arith.constant 16 : i32
      %dma_start3A_471 = arith.constant 0 : i32
      %dma_start3A_472 = tpu.memref_slice %arg4[%dma_start3A_470, %dma_start3A_471] : memref<80x1024xf32, #tpu.memory_space<vmem>> -> memref<8x1024xf32, #tpu.memory_space<vmem>>
      tpu.enqueue_dma source(%dma_start3A_472 : memref<8x1024xf32, #tpu.memory_space<vmem>>) target(%dma_start3A_469 : memref<8x1024xf32, #tpu.memory_space<hbm>>) target_semaphore(%arg17 : memref<!tpu.dma_semaphore, #tpu.memory_space<semaphore_mem>>)
      %add3A_473 = arith.constant 6 : i32
      %add3A_474 = arith.addi %add3A_434, %add3A_473 : i32
      %sub3A_475 = arith.constant 10 : i32
      %sub3A_476 = arith.subi %add3A_474, %sub3A_475 : i32
      %lt3A_477 = arith.constant 200 : i32
      %lt3A_478 = arith.cmpi slt, %add3A_474, %lt3A_477 : i32
      %convert_element_type3A_479 = arith.extui %lt3A_478 : i1 to i32
      %cond3A_480 = arith.constant 0 : i32
      %cond3A_481 = arith.cmpi ne, %convert_element_type3A_479, %cond3A_480 : i32
      scf.if %cond3A_481 {
        %ge3A = arith.constant 0 : i32
        %ge3A_837 = arith.cmpi sge, %sub3A_476, %ge3A : i32
        %convert_element_type3A_838 = arith.extui %ge3A_837 : i1 to i32
        %cond3A_839 = arith.constant 0 : i32
        %cond3A_840 = arith.cmpi ne, %convert_element_type3A_838, %cond3A_839 : i32
        scf.if %cond3A_840 {
          %jit3A_851 = arith.constant 10 : i32
          %div3A_852 = arith.divsi %sub3A_476, %jit3A_851 : i32
          %sign3A_853 = arith.constant 0 : i32
          %sign3A_854 = arith.cmpi sgt, %sub3A_476, %sign3A_853 : i32
          %sign3A_855 = arith.extui %sign3A_854 : i1 to i32
          %sign3A_856 = arith.constant 0 : i32
          %sign3A_857 = arith.cmpi slt, %sub3A_476, %sign3A_856 : i32
          %sign3A_858 = arith.extui %sign3A_857 : i1 to i32
          %sign3A_859 = arith.subi %sign3A_855, %sign3A_858 : i32
          %sign3A_860 = arith.constant 0 : i32
          %sign3A_861 = arith.cmpi sgt, %jit3A_851, %sign3A_860 : i32
          %sign3A_862 = arith.extui %sign3A_861 : i1 to i32
          %sign3A_863 = arith.constant 0 : i32
          %sign3A_864 = arith.cmpi slt, %jit3A_851, %sign3A_863 : i32
          %sign3A_865 = arith.extui %sign3A_864 : i1 to i32
          %sign3A_866 = arith.subi %sign3A_862, %sign3A_865 : i32
          %ne3A_867 = arith.cmpi ne, %sign3A_859, %sign3A_866 : i32
          %rem3A_868 = arith.remsi %sub3A_476, %jit3A_851 : i32
          %ne3A_869 = arith.constant 0 : i32
          %ne3A_870 = arith.cmpi ne, %rem3A_868, %ne3A_869 : i32
          %and3A_871 = arith.andi %ne3A_867, %ne3A_870 : i1
          %sub3A_872 = arith.constant 1 : i32
          %sub3A_873 = arith.subi %div3A_852, %sub3A_872 : i32
          %select_n3A_874 = arith.select %and3A_871, %sub3A_873, %div3A_852 : i32
          %mul3A_875 = arith.constant 21 : i32
          %mul3A_876 = arith.muli %select_n3A_874, %mul3A_875 : i32
          %add3A_877 = arith.constant 17 : i32
          %add3A_878 = arith.addi %mul3A_876, %add3A_877 : i32
          %add3A_879 = arith.constant 0 : i32
          %add3A_880 = arith.addi %add3A_878, %add3A_879 : i32
          %dma_wait3A_881 = arith.constant 64 : i32
          %dma_wait3A_882 = arith.constant 0 : i32
          %dma_wait3A_883 = tpu.memref_slice %arg4[%dma_wait3A_881, %dma_wait3A_882] : memref<80x1024xf32, #tpu.memory_space<vmem>> -> memref<8x1024xf32, #tpu.memory_space<vmem>>
          %dma_wait3A_884 = tpu.memref_slice %arg3[%add3A_880, %mul3A_11, %mul3A_34] : memref<420x64x4096xf32, #tpu.memory_space<hbm>> -> memref<1x8x1024xf32, #tpu.memory_space<hbm>>
          %dma_wait3A_885 = tpu.memref_squeeze %dma_wait3A_884 : memref<1x8x1024xf32, #tpu.memory_space<hbm>> -> memref<8x1024xf32, #tpu.memory_space<hbm>>
          %dma_wait3A_886 = tpu.memref_slice %arg3[%add3A_880, %mul3A_11, %mul3A_34] : memref<420x64x4096xf32, #tpu.memory_space<hbm>> -> memref<1x8x1024xf32, #tpu.memory_space<hbm>>
          %dma_wait3A_887 = tpu.memref_squeeze %dma_wait3A_886 : memref<1x8x1024xf32, #tpu.memory_space<hbm>> -> memref<8x1024xf32, #tpu.memory_space<hbm>>
          %dma_wait3A_888 = arith.constant 64 : i32
          %dma_wait3A_889 = arith.constant 0 : i32
          %dma_wait3A_890 = tpu.memref_slice %arg4[%dma_wait3A_888, %dma_wait3A_889] : memref<80x1024xf32, #tpu.memory_space<vmem>> -> memref<8x1024xf32, #tpu.memory_space<vmem>>
          tpu.wait_dma2 semaphore(%arg23 : memref<!tpu.dma_semaphore, #tpu.memory_space<semaphore_mem>>) src(%dma_wait3A_890 : memref<8x1024xf32, #tpu.memory_space<vmem>>) dst(%dma_wait3A_887 : memref<8x1024xf32, #tpu.memory_space<hbm>>)
          %add3A_891 = arith.constant 1 : i32
          %add3A_892 = arith.addi %add3A_878, %add3A_891 : i32
          %dma_wait3A_893 = arith.constant 64 : i32
          %dma_wait3A_894 = arith.constant 0 : i32
          %dma_wait3A_895 = tpu.memref_slice %arg4[%dma_wait3A_893, %dma_wait3A_894] : memref<80x1024xf32, #tpu.memory_space<vmem>> -> memref<8x1024xf32, #tpu.memory_space<vmem>>
          %dma_wait3A_896 = tpu.memref_slice %arg3[%add3A_892, %mul3A_11, %mul3A_34] : memref<420x64x4096xf32, #tpu.memory_space<hbm>> -> memref<1x8x1024xf32, #tpu.memory_space<hbm>>
          %dma_wait3A_897 = tpu.memref_squeeze %dma_wait3A_896 : memref<1x8x1024xf32, #tpu.memory_space<hbm>> -> memref<8x1024xf32, #tpu.memory_space<hbm>>
          %dma_wait3A_898 = tpu.memref_slice %arg3[%add3A_892, %mul3A_11, %mul3A_34] : memref<420x64x4096xf32, #tpu.memory_space<hbm>> -> memref<1x8x1024xf32, #tpu.memory_space<hbm>>
          %dma_wait3A_899 = tpu.memref_squeeze %dma_wait3A_898 : memref<1x8x1024xf32, #tpu.memory_space<hbm>> -> memref<8x1024xf32, #tpu.memory_space<hbm>>
          %dma_wait3A_900 = arith.constant 64 : i32
          %dma_wait3A_901 = arith.constant 0 : i32
          %dma_wait3A_902 = tpu.memref_slice %arg4[%dma_wait3A_900, %dma_wait3A_901] : memref<80x1024xf32, #tpu.memory_space<vmem>> -> memref<8x1024xf32, #tpu.memory_space<vmem>>
          tpu.wait_dma2 semaphore(%arg23 : memref<!tpu.dma_semaphore, #tpu.memory_space<semaphore_mem>>) src(%dma_wait3A_902 : memref<8x1024xf32, #tpu.memory_space<vmem>>) dst(%dma_wait3A_899 : memref<8x1024xf32, #tpu.memory_space<hbm>>)
        } else {
        }
        %dma_start3A_841 = arith.constant 64 : i32
        %dma_start3A_842 = arith.constant 0 : i32
        %dma_start3A_843 = tpu.memref_slice %arg4[%dma_start3A_841, %dma_start3A_842] : memref<80x1024xf32, #tpu.memory_space<vmem>> -> memref<8x1024xf32, #tpu.memory_space<vmem>>
        %dma_start3A_844 = tpu.memref_slice %arg2[%add3A_474, %mul3A_11, %mul3A_34] : memref<200x64x4096xf32, #tpu.memory_space<hbm>> -> memref<1x8x1024xf32, #tpu.memory_space<hbm>>
        %dma_start3A_845 = tpu.memref_squeeze %dma_start3A_844 : memref<1x8x1024xf32, #tpu.memory_space<hbm>> -> memref<8x1024xf32, #tpu.memory_space<hbm>>
        %dma_start3A_846 = arith.constant 64 : i32
        %dma_start3A_847 = arith.constant 0 : i32
        %dma_start3A_848 = tpu.memref_slice %arg4[%dma_start3A_846, %dma_start3A_847] : memref<80x1024xf32, #tpu.memory_space<vmem>> -> memref<8x1024xf32, #tpu.memory_space<vmem>>
        %dma_start3A_849 = tpu.memref_slice %arg2[%add3A_474, %mul3A_11, %mul3A_34] : memref<200x64x4096xf32, #tpu.memory_space<hbm>> -> memref<1x8x1024xf32, #tpu.memory_space<hbm>>
        %dma_start3A_850 = tpu.memref_squeeze %dma_start3A_849 : memref<1x8x1024xf32, #tpu.memory_space<hbm>> -> memref<8x1024xf32, #tpu.memory_space<hbm>>
        tpu.enqueue_dma source(%dma_start3A_850 : memref<8x1024xf32, #tpu.memory_space<hbm>>) target(%dma_start3A_848 : memref<8x1024xf32, #tpu.memory_space<vmem>>) target_semaphore(%arg13 : memref<!tpu.dma_semaphore, #tpu.memory_space<semaphore_mem>>)
      } else {
      }
      %add3A_482 = arith.constant 3 : i32
      %add3A_483 = arith.addi %mul3A_336, %add3A_482 : i32
      %dma_wait3A_484 = arith.constant 24 : i32
      %dma_wait3A_485 = arith.constant 0 : i32
      %dma_wait3A_486 = tpu.memref_slice %arg4[%dma_wait3A_484, %dma_wait3A_485] : memref<80x1024xf32, #tpu.memory_space<vmem>> -> memref<8x1024xf32, #tpu.memory_space<vmem>>
      %dma_wait3A_487 = tpu.memref_slice %arg2[%add3A_483, %mul3A_11, %mul3A_34] : memref<200x64x4096xf32, #tpu.memory_space<hbm>> -> memref<1x8x1024xf32, #tpu.memory_space<hbm>>
      %dma_wait3A_488 = tpu.memref_squeeze %dma_wait3A_487 : memref<1x8x1024xf32, #tpu.memory_space<hbm>> -> memref<8x1024xf32, #tpu.memory_space<hbm>>
      %dma_wait3A_489 = arith.constant 24 : i32
      %dma_wait3A_490 = arith.constant 0 : i32
      %dma_wait3A_491 = tpu.memref_slice %arg4[%dma_wait3A_489, %dma_wait3A_490] : memref<80x1024xf32, #tpu.memory_space<vmem>> -> memref<8x1024xf32, #tpu.memory_space<vmem>>
      %dma_wait3A_492 = tpu.memref_slice %arg2[%add3A_483, %mul3A_11, %mul3A_34] : memref<200x64x4096xf32, #tpu.memory_space<hbm>> -> memref<1x8x1024xf32, #tpu.memory_space<hbm>>
      %dma_wait3A_493 = tpu.memref_squeeze %dma_wait3A_492 : memref<1x8x1024xf32, #tpu.memory_space<hbm>> -> memref<8x1024xf32, #tpu.memory_space<hbm>>
      tpu.wait_dma2 semaphore(%arg8 : memref<!tpu.dma_semaphore, #tpu.memory_space<semaphore_mem>>) src(%dma_wait3A_493 : memref<8x1024xf32, #tpu.memory_space<hbm>>) dst(%dma_wait3A_491 : memref<8x1024xf32, #tpu.memory_space<vmem>>)
      %mul3A_494 = arith.constant 21 : i32
      %mul3A_495 = arith.muli %scan3A_334, %mul3A_494 : i32
      %add3A_496 = arith.constant 6 : i32
      %add3A_497 = arith.addi %mul3A_495, %add3A_496 : i32
      %add3A_498 = arith.constant 0 : i32
      %add3A_499 = arith.addi %add3A_497, %add3A_498 : i32
      %dma_start3A_500 = arith.constant 24 : i32
      %dma_start3A_501 = arith.constant 0 : i32
      %dma_start3A_502 = tpu.memref_slice %arg4[%dma_start3A_500, %dma_start3A_501] : memref<80x1024xf32, #tpu.memory_space<vmem>> -> memref<8x1024xf32, #tpu.memory_space<vmem>>
      %dma_start3A_503 = tpu.memref_slice %arg3[%add3A_499, %mul3A_11, %mul3A_34] : memref<420x64x4096xf32, #tpu.memory_space<hbm>> -> memref<1x8x1024xf32, #tpu.memory_space<hbm>>
      %dma_start3A_504 = tpu.memref_squeeze %dma_start3A_503 : memref<1x8x1024xf32, #tpu.memory_space<hbm>> -> memref<8x1024xf32, #tpu.memory_space<hbm>>
      %dma_start3A_505 = tpu.memref_slice %arg3[%add3A_499, %mul3A_11, %mul3A_34] : memref<420x64x4096xf32, #tpu.memory_space<hbm>> -> memref<1x8x1024xf32, #tpu.memory_space<hbm>>
      %dma_start3A_506 = tpu.memref_squeeze %dma_start3A_505 : memref<1x8x1024xf32, #tpu.memory_space<hbm>> -> memref<8x1024xf32, #tpu.memory_space<hbm>>
      %dma_start3A_507 = arith.constant 24 : i32
      %dma_start3A_508 = arith.constant 0 : i32
      %dma_start3A_509 = tpu.memref_slice %arg4[%dma_start3A_507, %dma_start3A_508] : memref<80x1024xf32, #tpu.memory_space<vmem>> -> memref<8x1024xf32, #tpu.memory_space<vmem>>
      tpu.enqueue_dma source(%dma_start3A_509 : memref<8x1024xf32, #tpu.memory_space<vmem>>) target(%dma_start3A_506 : memref<8x1024xf32, #tpu.memory_space<hbm>>) target_semaphore(%arg18 : memref<!tpu.dma_semaphore, #tpu.memory_space<semaphore_mem>>)
      %add3A_510 = arith.constant 1 : i32
      %add3A_511 = arith.addi %add3A_497, %add3A_510 : i32
      %dma_start3A_512 = arith.constant 24 : i32
      %dma_start3A_513 = arith.constant 0 : i32
      %dma_start3A_514 = tpu.memref_slice %arg4[%dma_start3A_512, %dma_start3A_513] : memref<80x1024xf32, #tpu.memory_space<vmem>> -> memref<8x1024xf32, #tpu.memory_space<vmem>>
      %dma_start3A_515 = tpu.memref_slice %arg3[%add3A_511, %mul3A_11, %mul3A_34] : memref<420x64x4096xf32, #tpu.memory_space<hbm>> -> memref<1x8x1024xf32, #tpu.memory_space<hbm>>
      %dma_start3A_516 = tpu.memref_squeeze %dma_start3A_515 : memref<1x8x1024xf32, #tpu.memory_space<hbm>> -> memref<8x1024xf32, #tpu.memory_space<hbm>>
      %dma_start3A_517 = tpu.memref_slice %arg3[%add3A_511, %mul3A_11, %mul3A_34] : memref<420x64x4096xf32, #tpu.memory_space<hbm>> -> memref<1x8x1024xf32, #tpu.memory_space<hbm>>
      %dma_start3A_518 = tpu.memref_squeeze %dma_start3A_517 : memref<1x8x1024xf32, #tpu.memory_space<hbm>> -> memref<8x1024xf32, #tpu.memory_space<hbm>>
      %dma_start3A_519 = arith.constant 24 : i32
      %dma_start3A_520 = arith.constant 0 : i32
      %dma_start3A_521 = tpu.memref_slice %arg4[%dma_start3A_519, %dma_start3A_520] : memref<80x1024xf32, #tpu.memory_space<vmem>> -> memref<8x1024xf32, #tpu.memory_space<vmem>>
      tpu.enqueue_dma source(%dma_start3A_521 : memref<8x1024xf32, #tpu.memory_space<vmem>>) target(%dma_start3A_518 : memref<8x1024xf32, #tpu.memory_space<hbm>>) target_semaphore(%arg18 : memref<!tpu.dma_semaphore, #tpu.memory_space<semaphore_mem>>)
      %add3A_522 = arith.constant 6 : i32
      %add3A_523 = arith.addi %add3A_483, %add3A_522 : i32
      %sub3A_524 = arith.constant 10 : i32
      %sub3A_525 = arith.subi %add3A_523, %sub3A_524 : i32
      %lt3A_526 = arith.constant 200 : i32
      %lt3A_527 = arith.cmpi slt, %add3A_523, %lt3A_526 : i32
      %convert_element_type3A_528 = arith.extui %lt3A_527 : i1 to i32
      %cond3A_529 = arith.constant 0 : i32
      %cond3A_530 = arith.cmpi ne, %convert_element_type3A_528, %cond3A_529 : i32
      scf.if %cond3A_530 {
        %ge3A = arith.constant 0 : i32
        %ge3A_837 = arith.cmpi sge, %sub3A_525, %ge3A : i32
        %convert_element_type3A_838 = arith.extui %ge3A_837 : i1 to i32
        %cond3A_839 = arith.constant 0 : i32
        %cond3A_840 = arith.cmpi ne, %convert_element_type3A_838, %cond3A_839 : i32
        scf.if %cond3A_840 {
          %jit3A_851 = arith.constant 10 : i32
          %div3A_852 = arith.divsi %sub3A_525, %jit3A_851 : i32
          %sign3A_853 = arith.constant 0 : i32
          %sign3A_854 = arith.cmpi sgt, %sub3A_525, %sign3A_853 : i32
          %sign3A_855 = arith.extui %sign3A_854 : i1 to i32
          %sign3A_856 = arith.constant 0 : i32
          %sign3A_857 = arith.cmpi slt, %sub3A_525, %sign3A_856 : i32
          %sign3A_858 = arith.extui %sign3A_857 : i1 to i32
          %sign3A_859 = arith.subi %sign3A_855, %sign3A_858 : i32
          %sign3A_860 = arith.constant 0 : i32
          %sign3A_861 = arith.cmpi sgt, %jit3A_851, %sign3A_860 : i32
          %sign3A_862 = arith.extui %sign3A_861 : i1 to i32
          %sign3A_863 = arith.constant 0 : i32
          %sign3A_864 = arith.cmpi slt, %jit3A_851, %sign3A_863 : i32
          %sign3A_865 = arith.extui %sign3A_864 : i1 to i32
          %sign3A_866 = arith.subi %sign3A_862, %sign3A_865 : i32
          %ne3A_867 = arith.cmpi ne, %sign3A_859, %sign3A_866 : i32
          %rem3A_868 = arith.remsi %sub3A_525, %jit3A_851 : i32
          %ne3A_869 = arith.constant 0 : i32
          %ne3A_870 = arith.cmpi ne, %rem3A_868, %ne3A_869 : i32
          %and3A_871 = arith.andi %ne3A_867, %ne3A_870 : i1
          %sub3A_872 = arith.constant 1 : i32
          %sub3A_873 = arith.subi %div3A_852, %sub3A_872 : i32
          %select_n3A_874 = arith.select %and3A_871, %sub3A_873, %div3A_852 : i32
          %mul3A_875 = arith.constant 21 : i32
          %mul3A_876 = arith.muli %select_n3A_874, %mul3A_875 : i32
          %add3A_877 = arith.constant 19 : i32
          %add3A_878 = arith.addi %mul3A_876, %add3A_877 : i32
          %add3A_879 = arith.constant 0 : i32
          %add3A_880 = arith.addi %add3A_878, %add3A_879 : i32
          %dma_wait3A_881 = arith.constant 72 : i32
          %dma_wait3A_882 = arith.constant 0 : i32
          %dma_wait3A_883 = tpu.memref_slice %arg4[%dma_wait3A_881, %dma_wait3A_882] : memref<80x1024xf32, #tpu.memory_space<vmem>> -> memref<8x1024xf32, #tpu.memory_space<vmem>>
          %dma_wait3A_884 = tpu.memref_slice %arg3[%add3A_880, %mul3A_11, %mul3A_34] : memref<420x64x4096xf32, #tpu.memory_space<hbm>> -> memref<1x8x1024xf32, #tpu.memory_space<hbm>>
          %dma_wait3A_885 = tpu.memref_squeeze %dma_wait3A_884 : memref<1x8x1024xf32, #tpu.memory_space<hbm>> -> memref<8x1024xf32, #tpu.memory_space<hbm>>
          %dma_wait3A_886 = tpu.memref_slice %arg3[%add3A_880, %mul3A_11, %mul3A_34] : memref<420x64x4096xf32, #tpu.memory_space<hbm>> -> memref<1x8x1024xf32, #tpu.memory_space<hbm>>
          %dma_wait3A_887 = tpu.memref_squeeze %dma_wait3A_886 : memref<1x8x1024xf32, #tpu.memory_space<hbm>> -> memref<8x1024xf32, #tpu.memory_space<hbm>>
          %dma_wait3A_888 = arith.constant 72 : i32
          %dma_wait3A_889 = arith.constant 0 : i32
          %dma_wait3A_890 = tpu.memref_slice %arg4[%dma_wait3A_888, %dma_wait3A_889] : memref<80x1024xf32, #tpu.memory_space<vmem>> -> memref<8x1024xf32, #tpu.memory_space<vmem>>
          tpu.wait_dma2 semaphore(%arg24 : memref<!tpu.dma_semaphore, #tpu.memory_space<semaphore_mem>>) src(%dma_wait3A_890 : memref<8x1024xf32, #tpu.memory_space<vmem>>) dst(%dma_wait3A_887 : memref<8x1024xf32, #tpu.memory_space<hbm>>)
          %add3A_891 = arith.constant 1 : i32
          %add3A_892 = arith.addi %add3A_878, %add3A_891 : i32
          %dma_wait3A_893 = arith.constant 72 : i32
          %dma_wait3A_894 = arith.constant 0 : i32
          %dma_wait3A_895 = tpu.memref_slice %arg4[%dma_wait3A_893, %dma_wait3A_894] : memref<80x1024xf32, #tpu.memory_space<vmem>> -> memref<8x1024xf32, #tpu.memory_space<vmem>>
          %dma_wait3A_896 = tpu.memref_slice %arg3[%add3A_892, %mul3A_11, %mul3A_34] : memref<420x64x4096xf32, #tpu.memory_space<hbm>> -> memref<1x8x1024xf32, #tpu.memory_space<hbm>>
          %dma_wait3A_897 = tpu.memref_squeeze %dma_wait3A_896 : memref<1x8x1024xf32, #tpu.memory_space<hbm>> -> memref<8x1024xf32, #tpu.memory_space<hbm>>
          %dma_wait3A_898 = tpu.memref_slice %arg3[%add3A_892, %mul3A_11, %mul3A_34] : memref<420x64x4096xf32, #tpu.memory_space<hbm>> -> memref<1x8x1024xf32, #tpu.memory_space<hbm>>
          %dma_wait3A_899 = tpu.memref_squeeze %dma_wait3A_898 : memref<1x8x1024xf32, #tpu.memory_space<hbm>> -> memref<8x1024xf32, #tpu.memory_space<hbm>>
          %dma_wait3A_900 = arith.constant 72 : i32
          %dma_wait3A_901 = arith.constant 0 : i32
          %dma_wait3A_902 = tpu.memref_slice %arg4[%dma_wait3A_900, %dma_wait3A_901] : memref<80x1024xf32, #tpu.memory_space<vmem>> -> memref<8x1024xf32, #tpu.memory_space<vmem>>
          tpu.wait_dma2 semaphore(%arg24 : memref<!tpu.dma_semaphore, #tpu.memory_space<semaphore_mem>>) src(%dma_wait3A_902 : memref<8x1024xf32, #tpu.memory_space<vmem>>) dst(%dma_wait3A_899 : memref<8x1024xf32, #tpu.memory_space<hbm>>)
        } else {
        }
        %dma_start3A_841 = arith.constant 72 : i32
        %dma_start3A_842 = arith.constant 0 : i32
        %dma_start3A_843 = tpu.memref_slice %arg4[%dma_start3A_841, %dma_start3A_842] : memref<80x1024xf32, #tpu.memory_space<vmem>> -> memref<8x1024xf32, #tpu.memory_space<vmem>>
        %dma_start3A_844 = tpu.memref_slice %arg2[%add3A_523, %mul3A_11, %mul3A_34] : memref<200x64x4096xf32, #tpu.memory_space<hbm>> -> memref<1x8x1024xf32, #tpu.memory_space<hbm>>
        %dma_start3A_845 = tpu.memref_squeeze %dma_start3A_844 : memref<1x8x1024xf32, #tpu.memory_space<hbm>> -> memref<8x1024xf32, #tpu.memory_space<hbm>>
        %dma_start3A_846 = arith.constant 72 : i32
        %dma_start3A_847 = arith.constant 0 : i32
        %dma_start3A_848 = tpu.memref_slice %arg4[%dma_start3A_846, %dma_start3A_847] : memref<80x1024xf32, #tpu.memory_space<vmem>> -> memref<8x1024xf32, #tpu.memory_space<vmem>>
        %dma_start3A_849 = tpu.memref_slice %arg2[%add3A_523, %mul3A_11, %mul3A_34] : memref<200x64x4096xf32, #tpu.memory_space<hbm>> -> memref<1x8x1024xf32, #tpu.memory_space<hbm>>
        %dma_start3A_850 = tpu.memref_squeeze %dma_start3A_849 : memref<1x8x1024xf32, #tpu.memory_space<hbm>> -> memref<8x1024xf32, #tpu.memory_space<hbm>>
        tpu.enqueue_dma source(%dma_start3A_850 : memref<8x1024xf32, #tpu.memory_space<hbm>>) target(%dma_start3A_848 : memref<8x1024xf32, #tpu.memory_space<vmem>>) target_semaphore(%arg14 : memref<!tpu.dma_semaphore, #tpu.memory_space<semaphore_mem>>)
      } else {
      }
      %add3A_531 = arith.constant 4 : i32
      %add3A_532 = arith.addi %mul3A_336, %add3A_531 : i32
      %dma_wait3A_533 = arith.constant 32 : i32
      %dma_wait3A_534 = arith.constant 0 : i32
      %dma_wait3A_535 = tpu.memref_slice %arg4[%dma_wait3A_533, %dma_wait3A_534] : memref<80x1024xf32, #tpu.memory_space<vmem>> -> memref<8x1024xf32, #tpu.memory_space<vmem>>
      %dma_wait3A_536 = tpu.memref_slice %arg2[%add3A_532, %mul3A_11, %mul3A_34] : memref<200x64x4096xf32, #tpu.memory_space<hbm>> -> memref<1x8x1024xf32, #tpu.memory_space<hbm>>
      %dma_wait3A_537 = tpu.memref_squeeze %dma_wait3A_536 : memref<1x8x1024xf32, #tpu.memory_space<hbm>> -> memref<8x1024xf32, #tpu.memory_space<hbm>>
      %dma_wait3A_538 = arith.constant 32 : i32
      %dma_wait3A_539 = arith.constant 0 : i32
      %dma_wait3A_540 = tpu.memref_slice %arg4[%dma_wait3A_538, %dma_wait3A_539] : memref<80x1024xf32, #tpu.memory_space<vmem>> -> memref<8x1024xf32, #tpu.memory_space<vmem>>
      %dma_wait3A_541 = tpu.memref_slice %arg2[%add3A_532, %mul3A_11, %mul3A_34] : memref<200x64x4096xf32, #tpu.memory_space<hbm>> -> memref<1x8x1024xf32, #tpu.memory_space<hbm>>
      %dma_wait3A_542 = tpu.memref_squeeze %dma_wait3A_541 : memref<1x8x1024xf32, #tpu.memory_space<hbm>> -> memref<8x1024xf32, #tpu.memory_space<hbm>>
      tpu.wait_dma2 semaphore(%arg9 : memref<!tpu.dma_semaphore, #tpu.memory_space<semaphore_mem>>) src(%dma_wait3A_542 : memref<8x1024xf32, #tpu.memory_space<hbm>>) dst(%dma_wait3A_540 : memref<8x1024xf32, #tpu.memory_space<vmem>>)
      %mul3A_543 = arith.constant 21 : i32
      %mul3A_544 = arith.muli %scan3A_334, %mul3A_543 : i32
      %add3A_545 = arith.constant 8 : i32
      %add3A_546 = arith.addi %mul3A_544, %add3A_545 : i32
      %add3A_547 = arith.constant 0 : i32
      %add3A_548 = arith.addi %add3A_546, %add3A_547 : i32
      %dma_start3A_549 = arith.constant 32 : i32
      %dma_start3A_550 = arith.constant 0 : i32
      %dma_start3A_551 = tpu.memref_slice %arg4[%dma_start3A_549, %dma_start3A_550] : memref<80x1024xf32, #tpu.memory_space<vmem>> -> memref<8x1024xf32, #tpu.memory_space<vmem>>
      %dma_start3A_552 = tpu.memref_slice %arg3[%add3A_548, %mul3A_11, %mul3A_34] : memref<420x64x4096xf32, #tpu.memory_space<hbm>> -> memref<1x8x1024xf32, #tpu.memory_space<hbm>>
      %dma_start3A_553 = tpu.memref_squeeze %dma_start3A_552 : memref<1x8x1024xf32, #tpu.memory_space<hbm>> -> memref<8x1024xf32, #tpu.memory_space<hbm>>
      %dma_start3A_554 = tpu.memref_slice %arg3[%add3A_548, %mul3A_11, %mul3A_34] : memref<420x64x4096xf32, #tpu.memory_space<hbm>> -> memref<1x8x1024xf32, #tpu.memory_space<hbm>>
      %dma_start3A_555 = tpu.memref_squeeze %dma_start3A_554 : memref<1x8x1024xf32, #tpu.memory_space<hbm>> -> memref<8x1024xf32, #tpu.memory_space<hbm>>
      %dma_start3A_556 = arith.constant 32 : i32
      %dma_start3A_557 = arith.constant 0 : i32
      %dma_start3A_558 = tpu.memref_slice %arg4[%dma_start3A_556, %dma_start3A_557] : memref<80x1024xf32, #tpu.memory_space<vmem>> -> memref<8x1024xf32, #tpu.memory_space<vmem>>
      tpu.enqueue_dma source(%dma_start3A_558 : memref<8x1024xf32, #tpu.memory_space<vmem>>) target(%dma_start3A_555 : memref<8x1024xf32, #tpu.memory_space<hbm>>) target_semaphore(%arg19 : memref<!tpu.dma_semaphore, #tpu.memory_space<semaphore_mem>>)
      %add3A_559 = arith.constant 1 : i32
      %add3A_560 = arith.addi %add3A_546, %add3A_559 : i32
      %dma_start3A_561 = arith.constant 32 : i32
      %dma_start3A_562 = arith.constant 0 : i32
      %dma_start3A_563 = tpu.memref_slice %arg4[%dma_start3A_561, %dma_start3A_562] : memref<80x1024xf32, #tpu.memory_space<vmem>> -> memref<8x1024xf32, #tpu.memory_space<vmem>>
      %dma_start3A_564 = tpu.memref_slice %arg3[%add3A_560, %mul3A_11, %mul3A_34] : memref<420x64x4096xf32, #tpu.memory_space<hbm>> -> memref<1x8x1024xf32, #tpu.memory_space<hbm>>
      %dma_start3A_565 = tpu.memref_squeeze %dma_start3A_564 : memref<1x8x1024xf32, #tpu.memory_space<hbm>> -> memref<8x1024xf32, #tpu.memory_space<hbm>>
      %dma_start3A_566 = tpu.memref_slice %arg3[%add3A_560, %mul3A_11, %mul3A_34] : memref<420x64x4096xf32, #tpu.memory_space<hbm>> -> memref<1x8x1024xf32, #tpu.memory_space<hbm>>
      %dma_start3A_567 = tpu.memref_squeeze %dma_start3A_566 : memref<1x8x1024xf32, #tpu.memory_space<hbm>> -> memref<8x1024xf32, #tpu.memory_space<hbm>>
      %dma_start3A_568 = arith.constant 32 : i32
      %dma_start3A_569 = arith.constant 0 : i32
      %dma_start3A_570 = tpu.memref_slice %arg4[%dma_start3A_568, %dma_start3A_569] : memref<80x1024xf32, #tpu.memory_space<vmem>> -> memref<8x1024xf32, #tpu.memory_space<vmem>>
      tpu.enqueue_dma source(%dma_start3A_570 : memref<8x1024xf32, #tpu.memory_space<vmem>>) target(%dma_start3A_567 : memref<8x1024xf32, #tpu.memory_space<hbm>>) target_semaphore(%arg19 : memref<!tpu.dma_semaphore, #tpu.memory_space<semaphore_mem>>)
      %add3A_571 = arith.constant 6 : i32
      %add3A_572 = arith.addi %add3A_532, %add3A_571 : i32
      %sub3A_573 = arith.constant 10 : i32
      %sub3A_574 = arith.subi %add3A_572, %sub3A_573 : i32
      %lt3A_575 = arith.constant 200 : i32
      %lt3A_576 = arith.cmpi slt, %add3A_572, %lt3A_575 : i32
      %convert_element_type3A_577 = arith.extui %lt3A_576 : i1 to i32
      %cond3A_578 = arith.constant 0 : i32
      %cond3A_579 = arith.cmpi ne, %convert_element_type3A_577, %cond3A_578 : i32
      scf.if %cond3A_579 {
        %ge3A = arith.constant 0 : i32
        %ge3A_837 = arith.cmpi sge, %sub3A_574, %ge3A : i32
        %convert_element_type3A_838 = arith.extui %ge3A_837 : i1 to i32
        %cond3A_839 = arith.constant 0 : i32
        %cond3A_840 = arith.cmpi ne, %convert_element_type3A_838, %cond3A_839 : i32
        scf.if %cond3A_840 {
          %jit3A_851 = arith.constant 10 : i32
          %div3A_852 = arith.divsi %sub3A_574, %jit3A_851 : i32
          %sign3A_853 = arith.constant 0 : i32
          %sign3A_854 = arith.cmpi sgt, %sub3A_574, %sign3A_853 : i32
          %sign3A_855 = arith.extui %sign3A_854 : i1 to i32
          %sign3A_856 = arith.constant 0 : i32
          %sign3A_857 = arith.cmpi slt, %sub3A_574, %sign3A_856 : i32
          %sign3A_858 = arith.extui %sign3A_857 : i1 to i32
          %sign3A_859 = arith.subi %sign3A_855, %sign3A_858 : i32
          %sign3A_860 = arith.constant 0 : i32
          %sign3A_861 = arith.cmpi sgt, %jit3A_851, %sign3A_860 : i32
          %sign3A_862 = arith.extui %sign3A_861 : i1 to i32
          %sign3A_863 = arith.constant 0 : i32
          %sign3A_864 = arith.cmpi slt, %jit3A_851, %sign3A_863 : i32
          %sign3A_865 = arith.extui %sign3A_864 : i1 to i32
          %sign3A_866 = arith.subi %sign3A_862, %sign3A_865 : i32
          %ne3A_867 = arith.cmpi ne, %sign3A_859, %sign3A_866 : i32
          %rem3A_868 = arith.remsi %sub3A_574, %jit3A_851 : i32
          %ne3A_869 = arith.constant 0 : i32
          %ne3A_870 = arith.cmpi ne, %rem3A_868, %ne3A_869 : i32
          %and3A_871 = arith.andi %ne3A_867, %ne3A_870 : i1
          %sub3A_872 = arith.constant 1 : i32
          %sub3A_873 = arith.subi %div3A_852, %sub3A_872 : i32
          %select_n3A_874 = arith.select %and3A_871, %sub3A_873, %div3A_852 : i32
          %mul3A_875 = arith.constant 21 : i32
          %mul3A_876 = arith.muli %select_n3A_874, %mul3A_875 : i32
          %add3A_877 = arith.constant 0 : i32
          %add3A_878 = arith.addi %mul3A_876, %add3A_877 : i32
          %add3A_879 = arith.constant 0 : i32
          %add3A_880 = arith.addi %add3A_878, %add3A_879 : i32
          %dma_wait3A_881 = arith.constant 0 : i32
          %dma_wait3A_882 = arith.constant 0 : i32
          %dma_wait3A_883 = tpu.memref_slice %arg4[%dma_wait3A_881, %dma_wait3A_882] : memref<80x1024xf32, #tpu.memory_space<vmem>> -> memref<8x1024xf32, #tpu.memory_space<vmem>>
          %dma_wait3A_884 = tpu.memref_slice %arg3[%add3A_880, %mul3A_11, %mul3A_34] : memref<420x64x4096xf32, #tpu.memory_space<hbm>> -> memref<1x8x1024xf32, #tpu.memory_space<hbm>>
          %dma_wait3A_885 = tpu.memref_squeeze %dma_wait3A_884 : memref<1x8x1024xf32, #tpu.memory_space<hbm>> -> memref<8x1024xf32, #tpu.memory_space<hbm>>
          %dma_wait3A_886 = tpu.memref_slice %arg3[%add3A_880, %mul3A_11, %mul3A_34] : memref<420x64x4096xf32, #tpu.memory_space<hbm>> -> memref<1x8x1024xf32, #tpu.memory_space<hbm>>
          %dma_wait3A_887 = tpu.memref_squeeze %dma_wait3A_886 : memref<1x8x1024xf32, #tpu.memory_space<hbm>> -> memref<8x1024xf32, #tpu.memory_space<hbm>>
          %dma_wait3A_888 = arith.constant 0 : i32
          %dma_wait3A_889 = arith.constant 0 : i32
          %dma_wait3A_890 = tpu.memref_slice %arg4[%dma_wait3A_888, %dma_wait3A_889] : memref<80x1024xf32, #tpu.memory_space<vmem>> -> memref<8x1024xf32, #tpu.memory_space<vmem>>
          tpu.wait_dma2 semaphore(%arg15 : memref<!tpu.dma_semaphore, #tpu.memory_space<semaphore_mem>>) src(%dma_wait3A_890 : memref<8x1024xf32, #tpu.memory_space<vmem>>) dst(%dma_wait3A_887 : memref<8x1024xf32, #tpu.memory_space<hbm>>)
          %add3A_891 = arith.constant 1 : i32
          %add3A_892 = arith.addi %add3A_878, %add3A_891 : i32
          %dma_wait3A_893 = arith.constant 0 : i32
          %dma_wait3A_894 = arith.constant 0 : i32
          %dma_wait3A_895 = tpu.memref_slice %arg4[%dma_wait3A_893, %dma_wait3A_894] : memref<80x1024xf32, #tpu.memory_space<vmem>> -> memref<8x1024xf32, #tpu.memory_space<vmem>>
          %dma_wait3A_896 = tpu.memref_slice %arg3[%add3A_892, %mul3A_11, %mul3A_34] : memref<420x64x4096xf32, #tpu.memory_space<hbm>> -> memref<1x8x1024xf32, #tpu.memory_space<hbm>>
          %dma_wait3A_897 = tpu.memref_squeeze %dma_wait3A_896 : memref<1x8x1024xf32, #tpu.memory_space<hbm>> -> memref<8x1024xf32, #tpu.memory_space<hbm>>
          %dma_wait3A_898 = tpu.memref_slice %arg3[%add3A_892, %mul3A_11, %mul3A_34] : memref<420x64x4096xf32, #tpu.memory_space<hbm>> -> memref<1x8x1024xf32, #tpu.memory_space<hbm>>
          %dma_wait3A_899 = tpu.memref_squeeze %dma_wait3A_898 : memref<1x8x1024xf32, #tpu.memory_space<hbm>> -> memref<8x1024xf32, #tpu.memory_space<hbm>>
          %dma_wait3A_900 = arith.constant 0 : i32
          %dma_wait3A_901 = arith.constant 0 : i32
          %dma_wait3A_902 = tpu.memref_slice %arg4[%dma_wait3A_900, %dma_wait3A_901] : memref<80x1024xf32, #tpu.memory_space<vmem>> -> memref<8x1024xf32, #tpu.memory_space<vmem>>
          tpu.wait_dma2 semaphore(%arg15 : memref<!tpu.dma_semaphore, #tpu.memory_space<semaphore_mem>>) src(%dma_wait3A_902 : memref<8x1024xf32, #tpu.memory_space<vmem>>) dst(%dma_wait3A_899 : memref<8x1024xf32, #tpu.memory_space<hbm>>)
        } else {
        }
        %dma_start3A_841 = arith.constant 0 : i32
        %dma_start3A_842 = arith.constant 0 : i32
        %dma_start3A_843 = tpu.memref_slice %arg4[%dma_start3A_841, %dma_start3A_842] : memref<80x1024xf32, #tpu.memory_space<vmem>> -> memref<8x1024xf32, #tpu.memory_space<vmem>>
        %dma_start3A_844 = tpu.memref_slice %arg2[%add3A_572, %mul3A_11, %mul3A_34] : memref<200x64x4096xf32, #tpu.memory_space<hbm>> -> memref<1x8x1024xf32, #tpu.memory_space<hbm>>
        %dma_start3A_845 = tpu.memref_squeeze %dma_start3A_844 : memref<1x8x1024xf32, #tpu.memory_space<hbm>> -> memref<8x1024xf32, #tpu.memory_space<hbm>>
        %dma_start3A_846 = arith.constant 0 : i32
        %dma_start3A_847 = arith.constant 0 : i32
        %dma_start3A_848 = tpu.memref_slice %arg4[%dma_start3A_846, %dma_start3A_847] : memref<80x1024xf32, #tpu.memory_space<vmem>> -> memref<8x1024xf32, #tpu.memory_space<vmem>>
        %dma_start3A_849 = tpu.memref_slice %arg2[%add3A_572, %mul3A_11, %mul3A_34] : memref<200x64x4096xf32, #tpu.memory_space<hbm>> -> memref<1x8x1024xf32, #tpu.memory_space<hbm>>
        %dma_start3A_850 = tpu.memref_squeeze %dma_start3A_849 : memref<1x8x1024xf32, #tpu.memory_space<hbm>> -> memref<8x1024xf32, #tpu.memory_space<hbm>>
        tpu.enqueue_dma source(%dma_start3A_850 : memref<8x1024xf32, #tpu.memory_space<hbm>>) target(%dma_start3A_848 : memref<8x1024xf32, #tpu.memory_space<vmem>>) target_semaphore(%arg5 : memref<!tpu.dma_semaphore, #tpu.memory_space<semaphore_mem>>)
      } else {
      }
      %add3A_580 = arith.constant 5 : i32
      %add3A_581 = arith.addi %mul3A_336, %add3A_580 : i32
      %dma_wait3A_582 = arith.constant 40 : i32
      %dma_wait3A_583 = arith.constant 0 : i32
      %dma_wait3A_584 = tpu.memref_slice %arg4[%dma_wait3A_582, %dma_wait3A_583] : memref<80x1024xf32, #tpu.memory_space<vmem>> -> memref<8x1024xf32, #tpu.memory_space<vmem>>
      %dma_wait3A_585 = tpu.memref_slice %arg2[%add3A_581, %mul3A_11, %mul3A_34] : memref<200x64x4096xf32, #tpu.memory_space<hbm>> -> memref<1x8x1024xf32, #tpu.memory_space<hbm>>
      %dma_wait3A_586 = tpu.memref_squeeze %dma_wait3A_585 : memref<1x8x1024xf32, #tpu.memory_space<hbm>> -> memref<8x1024xf32, #tpu.memory_space<hbm>>
      %dma_wait3A_587 = arith.constant 40 : i32
      %dma_wait3A_588 = arith.constant 0 : i32
      %dma_wait3A_589 = tpu.memref_slice %arg4[%dma_wait3A_587, %dma_wait3A_588] : memref<80x1024xf32, #tpu.memory_space<vmem>> -> memref<8x1024xf32, #tpu.memory_space<vmem>>
      %dma_wait3A_590 = tpu.memref_slice %arg2[%add3A_581, %mul3A_11, %mul3A_34] : memref<200x64x4096xf32, #tpu.memory_space<hbm>> -> memref<1x8x1024xf32, #tpu.memory_space<hbm>>
      %dma_wait3A_591 = tpu.memref_squeeze %dma_wait3A_590 : memref<1x8x1024xf32, #tpu.memory_space<hbm>> -> memref<8x1024xf32, #tpu.memory_space<hbm>>
      tpu.wait_dma2 semaphore(%arg10 : memref<!tpu.dma_semaphore, #tpu.memory_space<semaphore_mem>>) src(%dma_wait3A_591 : memref<8x1024xf32, #tpu.memory_space<hbm>>) dst(%dma_wait3A_589 : memref<8x1024xf32, #tpu.memory_space<vmem>>)
      %mul3A_592 = arith.constant 21 : i32
      %mul3A_593 = arith.muli %scan3A_334, %mul3A_592 : i32
      %add3A_594 = arith.constant 10 : i32
      %add3A_595 = arith.addi %mul3A_593, %add3A_594 : i32
      %add3A_596 = arith.constant 0 : i32
      %add3A_597 = arith.addi %add3A_595, %add3A_596 : i32
      %dma_start3A_598 = arith.constant 40 : i32
      %dma_start3A_599 = arith.constant 0 : i32
      %dma_start3A_600 = tpu.memref_slice %arg4[%dma_start3A_598, %dma_start3A_599] : memref<80x1024xf32, #tpu.memory_space<vmem>> -> memref<8x1024xf32, #tpu.memory_space<vmem>>
      %dma_start3A_601 = tpu.memref_slice %arg3[%add3A_597, %mul3A_11, %mul3A_34] : memref<420x64x4096xf32, #tpu.memory_space<hbm>> -> memref<1x8x1024xf32, #tpu.memory_space<hbm>>
      %dma_start3A_602 = tpu.memref_squeeze %dma_start3A_601 : memref<1x8x1024xf32, #tpu.memory_space<hbm>> -> memref<8x1024xf32, #tpu.memory_space<hbm>>
      %dma_start3A_603 = tpu.memref_slice %arg3[%add3A_597, %mul3A_11, %mul3A_34] : memref<420x64x4096xf32, #tpu.memory_space<hbm>> -> memref<1x8x1024xf32, #tpu.memory_space<hbm>>
      %dma_start3A_604 = tpu.memref_squeeze %dma_start3A_603 : memref<1x8x1024xf32, #tpu.memory_space<hbm>> -> memref<8x1024xf32, #tpu.memory_space<hbm>>
      %dma_start3A_605 = arith.constant 40 : i32
      %dma_start3A_606 = arith.constant 0 : i32
      %dma_start3A_607 = tpu.memref_slice %arg4[%dma_start3A_605, %dma_start3A_606] : memref<80x1024xf32, #tpu.memory_space<vmem>> -> memref<8x1024xf32, #tpu.memory_space<vmem>>
      tpu.enqueue_dma source(%dma_start3A_607 : memref<8x1024xf32, #tpu.memory_space<vmem>>) target(%dma_start3A_604 : memref<8x1024xf32, #tpu.memory_space<hbm>>) target_semaphore(%arg20 : memref<!tpu.dma_semaphore, #tpu.memory_space<semaphore_mem>>)
      %add3A_608 = arith.constant 1 : i32
      %add3A_609 = arith.addi %add3A_595, %add3A_608 : i32
      %dma_start3A_610 = arith.constant 40 : i32
      %dma_start3A_611 = arith.constant 0 : i32
      %dma_start3A_612 = tpu.memref_slice %arg4[%dma_start3A_610, %dma_start3A_611] : memref<80x1024xf32, #tpu.memory_space<vmem>> -> memref<8x1024xf32, #tpu.memory_space<vmem>>
      %dma_start3A_613 = tpu.memref_slice %arg3[%add3A_609, %mul3A_11, %mul3A_34] : memref<420x64x4096xf32, #tpu.memory_space<hbm>> -> memref<1x8x1024xf32, #tpu.memory_space<hbm>>
      %dma_start3A_614 = tpu.memref_squeeze %dma_start3A_613 : memref<1x8x1024xf32, #tpu.memory_space<hbm>> -> memref<8x1024xf32, #tpu.memory_space<hbm>>
      %dma_start3A_615 = tpu.memref_slice %arg3[%add3A_609, %mul3A_11, %mul3A_34] : memref<420x64x4096xf32, #tpu.memory_space<hbm>> -> memref<1x8x1024xf32, #tpu.memory_space<hbm>>
      %dma_start3A_616 = tpu.memref_squeeze %dma_start3A_615 : memref<1x8x1024xf32, #tpu.memory_space<hbm>> -> memref<8x1024xf32, #tpu.memory_space<hbm>>
      %dma_start3A_617 = arith.constant 40 : i32
      %dma_start3A_618 = arith.constant 0 : i32
      %dma_start3A_619 = tpu.memref_slice %arg4[%dma_start3A_617, %dma_start3A_618] : memref<80x1024xf32, #tpu.memory_space<vmem>> -> memref<8x1024xf32, #tpu.memory_space<vmem>>
      tpu.enqueue_dma source(%dma_start3A_619 : memref<8x1024xf32, #tpu.memory_space<vmem>>) target(%dma_start3A_616 : memref<8x1024xf32, #tpu.memory_space<hbm>>) target_semaphore(%arg20 : memref<!tpu.dma_semaphore, #tpu.memory_space<semaphore_mem>>)
      %add3A_620 = arith.constant 2 : i32
      %add3A_621 = arith.addi %add3A_595, %add3A_620 : i32
      %dma_start3A_622 = arith.constant 40 : i32
      %dma_start3A_623 = arith.constant 0 : i32
      %dma_start3A_624 = tpu.memref_slice %arg4[%dma_start3A_622, %dma_start3A_623] : memref<80x1024xf32, #tpu.memory_space<vmem>> -> memref<8x1024xf32, #tpu.memory_space<vmem>>
      %dma_start3A_625 = tpu.memref_slice %arg3[%add3A_621, %mul3A_11, %mul3A_34] : memref<420x64x4096xf32, #tpu.memory_space<hbm>> -> memref<1x8x1024xf32, #tpu.memory_space<hbm>>
      %dma_start3A_626 = tpu.memref_squeeze %dma_start3A_625 : memref<1x8x1024xf32, #tpu.memory_space<hbm>> -> memref<8x1024xf32, #tpu.memory_space<hbm>>
      %dma_start3A_627 = tpu.memref_slice %arg3[%add3A_621, %mul3A_11, %mul3A_34] : memref<420x64x4096xf32, #tpu.memory_space<hbm>> -> memref<1x8x1024xf32, #tpu.memory_space<hbm>>
      %dma_start3A_628 = tpu.memref_squeeze %dma_start3A_627 : memref<1x8x1024xf32, #tpu.memory_space<hbm>> -> memref<8x1024xf32, #tpu.memory_space<hbm>>
      %dma_start3A_629 = arith.constant 40 : i32
      %dma_start3A_630 = arith.constant 0 : i32
      %dma_start3A_631 = tpu.memref_slice %arg4[%dma_start3A_629, %dma_start3A_630] : memref<80x1024xf32, #tpu.memory_space<vmem>> -> memref<8x1024xf32, #tpu.memory_space<vmem>>
      tpu.enqueue_dma source(%dma_start3A_631 : memref<8x1024xf32, #tpu.memory_space<vmem>>) target(%dma_start3A_628 : memref<8x1024xf32, #tpu.memory_space<hbm>>) target_semaphore(%arg20 : memref<!tpu.dma_semaphore, #tpu.memory_space<semaphore_mem>>)
      %add3A_632 = arith.constant 6 : i32
      %add3A_633 = arith.addi %add3A_581, %add3A_632 : i32
      %sub3A_634 = arith.constant 10 : i32
      %sub3A_635 = arith.subi %add3A_633, %sub3A_634 : i32
      %lt3A_636 = arith.constant 200 : i32
      %lt3A_637 = arith.cmpi slt, %add3A_633, %lt3A_636 : i32
      %convert_element_type3A_638 = arith.extui %lt3A_637 : i1 to i32
      %cond3A_639 = arith.constant 0 : i32
      %cond3A_640 = arith.cmpi ne, %convert_element_type3A_638, %cond3A_639 : i32
      scf.if %cond3A_640 {
        %ge3A = arith.constant 0 : i32
        %ge3A_837 = arith.cmpi sge, %sub3A_635, %ge3A : i32
        %convert_element_type3A_838 = arith.extui %ge3A_837 : i1 to i32
        %cond3A_839 = arith.constant 0 : i32
        %cond3A_840 = arith.cmpi ne, %convert_element_type3A_838, %cond3A_839 : i32
        scf.if %cond3A_840 {
          %jit3A_851 = arith.constant 10 : i32
          %div3A_852 = arith.divsi %sub3A_635, %jit3A_851 : i32
          %sign3A_853 = arith.constant 0 : i32
          %sign3A_854 = arith.cmpi sgt, %sub3A_635, %sign3A_853 : i32
          %sign3A_855 = arith.extui %sign3A_854 : i1 to i32
          %sign3A_856 = arith.constant 0 : i32
          %sign3A_857 = arith.cmpi slt, %sub3A_635, %sign3A_856 : i32
          %sign3A_858 = arith.extui %sign3A_857 : i1 to i32
          %sign3A_859 = arith.subi %sign3A_855, %sign3A_858 : i32
          %sign3A_860 = arith.constant 0 : i32
          %sign3A_861 = arith.cmpi sgt, %jit3A_851, %sign3A_860 : i32
          %sign3A_862 = arith.extui %sign3A_861 : i1 to i32
          %sign3A_863 = arith.constant 0 : i32
          %sign3A_864 = arith.cmpi slt, %jit3A_851, %sign3A_863 : i32
          %sign3A_865 = arith.extui %sign3A_864 : i1 to i32
          %sign3A_866 = arith.subi %sign3A_862, %sign3A_865 : i32
          %ne3A_867 = arith.cmpi ne, %sign3A_859, %sign3A_866 : i32
          %rem3A_868 = arith.remsi %sub3A_635, %jit3A_851 : i32
          %ne3A_869 = arith.constant 0 : i32
          %ne3A_870 = arith.cmpi ne, %rem3A_868, %ne3A_869 : i32
          %and3A_871 = arith.andi %ne3A_867, %ne3A_870 : i1
          %sub3A_872 = arith.constant 1 : i32
          %sub3A_873 = arith.subi %div3A_852, %sub3A_872 : i32
          %select_n3A_874 = arith.select %and3A_871, %sub3A_873, %div3A_852 : i32
          %mul3A_875 = arith.constant 21 : i32
          %mul3A_876 = arith.muli %select_n3A_874, %mul3A_875 : i32
          %add3A_877 = arith.constant 2 : i32
          %add3A_878 = arith.addi %mul3A_876, %add3A_877 : i32
          %add3A_879 = arith.constant 0 : i32
          %add3A_880 = arith.addi %add3A_878, %add3A_879 : i32
          %dma_wait3A_881 = arith.constant 8 : i32
          %dma_wait3A_882 = arith.constant 0 : i32
          %dma_wait3A_883 = tpu.memref_slice %arg4[%dma_wait3A_881, %dma_wait3A_882] : memref<80x1024xf32, #tpu.memory_space<vmem>> -> memref<8x1024xf32, #tpu.memory_space<vmem>>
          %dma_wait3A_884 = tpu.memref_slice %arg3[%add3A_880, %mul3A_11, %mul3A_34] : memref<420x64x4096xf32, #tpu.memory_space<hbm>> -> memref<1x8x1024xf32, #tpu.memory_space<hbm>>
          %dma_wait3A_885 = tpu.memref_squeeze %dma_wait3A_884 : memref<1x8x1024xf32, #tpu.memory_space<hbm>> -> memref<8x1024xf32, #tpu.memory_space<hbm>>
          %dma_wait3A_886 = tpu.memref_slice %arg3[%add3A_880, %mul3A_11, %mul3A_34] : memref<420x64x4096xf32, #tpu.memory_space<hbm>> -> memref<1x8x1024xf32, #tpu.memory_space<hbm>>
          %dma_wait3A_887 = tpu.memref_squeeze %dma_wait3A_886 : memref<1x8x1024xf32, #tpu.memory_space<hbm>> -> memref<8x1024xf32, #tpu.memory_space<hbm>>
          %dma_wait3A_888 = arith.constant 8 : i32
          %dma_wait3A_889 = arith.constant 0 : i32
          %dma_wait3A_890 = tpu.memref_slice %arg4[%dma_wait3A_888, %dma_wait3A_889] : memref<80x1024xf32, #tpu.memory_space<vmem>> -> memref<8x1024xf32, #tpu.memory_space<vmem>>
          tpu.wait_dma2 semaphore(%arg16 : memref<!tpu.dma_semaphore, #tpu.memory_space<semaphore_mem>>) src(%dma_wait3A_890 : memref<8x1024xf32, #tpu.memory_space<vmem>>) dst(%dma_wait3A_887 : memref<8x1024xf32, #tpu.memory_space<hbm>>)
          %add3A_891 = arith.constant 1 : i32
          %add3A_892 = arith.addi %add3A_878, %add3A_891 : i32
          %dma_wait3A_893 = arith.constant 8 : i32
          %dma_wait3A_894 = arith.constant 0 : i32
          %dma_wait3A_895 = tpu.memref_slice %arg4[%dma_wait3A_893, %dma_wait3A_894] : memref<80x1024xf32, #tpu.memory_space<vmem>> -> memref<8x1024xf32, #tpu.memory_space<vmem>>
          %dma_wait3A_896 = tpu.memref_slice %arg3[%add3A_892, %mul3A_11, %mul3A_34] : memref<420x64x4096xf32, #tpu.memory_space<hbm>> -> memref<1x8x1024xf32, #tpu.memory_space<hbm>>
          %dma_wait3A_897 = tpu.memref_squeeze %dma_wait3A_896 : memref<1x8x1024xf32, #tpu.memory_space<hbm>> -> memref<8x1024xf32, #tpu.memory_space<hbm>>
          %dma_wait3A_898 = tpu.memref_slice %arg3[%add3A_892, %mul3A_11, %mul3A_34] : memref<420x64x4096xf32, #tpu.memory_space<hbm>> -> memref<1x8x1024xf32, #tpu.memory_space<hbm>>
          %dma_wait3A_899 = tpu.memref_squeeze %dma_wait3A_898 : memref<1x8x1024xf32, #tpu.memory_space<hbm>> -> memref<8x1024xf32, #tpu.memory_space<hbm>>
          %dma_wait3A_900 = arith.constant 8 : i32
          %dma_wait3A_901 = arith.constant 0 : i32
          %dma_wait3A_902 = tpu.memref_slice %arg4[%dma_wait3A_900, %dma_wait3A_901] : memref<80x1024xf32, #tpu.memory_space<vmem>> -> memref<8x1024xf32, #tpu.memory_space<vmem>>
          tpu.wait_dma2 semaphore(%arg16 : memref<!tpu.dma_semaphore, #tpu.memory_space<semaphore_mem>>) src(%dma_wait3A_902 : memref<8x1024xf32, #tpu.memory_space<vmem>>) dst(%dma_wait3A_899 : memref<8x1024xf32, #tpu.memory_space<hbm>>)
        } else {
        }
        %dma_start3A_841 = arith.constant 8 : i32
        %dma_start3A_842 = arith.constant 0 : i32
        %dma_start3A_843 = tpu.memref_slice %arg4[%dma_start3A_841, %dma_start3A_842] : memref<80x1024xf32, #tpu.memory_space<vmem>> -> memref<8x1024xf32, #tpu.memory_space<vmem>>
        %dma_start3A_844 = tpu.memref_slice %arg2[%add3A_633, %mul3A_11, %mul3A_34] : memref<200x64x4096xf32, #tpu.memory_space<hbm>> -> memref<1x8x1024xf32, #tpu.memory_space<hbm>>
        %dma_start3A_845 = tpu.memref_squeeze %dma_start3A_844 : memref<1x8x1024xf32, #tpu.memory_space<hbm>> -> memref<8x1024xf32, #tpu.memory_space<hbm>>
        %dma_start3A_846 = arith.constant 8 : i32
        %dma_start3A_847 = arith.constant 0 : i32
        %dma_start3A_848 = tpu.memref_slice %arg4[%dma_start3A_846, %dma_start3A_847] : memref<80x1024xf32, #tpu.memory_space<vmem>> -> memref<8x1024xf32, #tpu.memory_space<vmem>>
        %dma_start3A_849 = tpu.memref_slice %arg2[%add3A_633, %mul3A_11, %mul3A_34] : memref<200x64x4096xf32, #tpu.memory_space<hbm>> -> memref<1x8x1024xf32, #tpu.memory_space<hbm>>
        %dma_start3A_850 = tpu.memref_squeeze %dma_start3A_849 : memref<1x8x1024xf32, #tpu.memory_space<hbm>> -> memref<8x1024xf32, #tpu.memory_space<hbm>>
        tpu.enqueue_dma source(%dma_start3A_850 : memref<8x1024xf32, #tpu.memory_space<hbm>>) target(%dma_start3A_848 : memref<8x1024xf32, #tpu.memory_space<vmem>>) target_semaphore(%arg6 : memref<!tpu.dma_semaphore, #tpu.memory_space<semaphore_mem>>)
      } else {
      }
      %add3A_641 = arith.constant 6 : i32
      %add3A_642 = arith.addi %mul3A_336, %add3A_641 : i32
      %dma_wait3A_643 = arith.constant 48 : i32
      %dma_wait3A_644 = arith.constant 0 : i32
      %dma_wait3A_645 = tpu.memref_slice %arg4[%dma_wait3A_643, %dma_wait3A_644] : memref<80x1024xf32, #tpu.memory_space<vmem>> -> memref<8x1024xf32, #tpu.memory_space<vmem>>
      %dma_wait3A_646 = tpu.memref_slice %arg2[%add3A_642, %mul3A_11, %mul3A_34] : memref<200x64x4096xf32, #tpu.memory_space<hbm>> -> memref<1x8x1024xf32, #tpu.memory_space<hbm>>
      %dma_wait3A_647 = tpu.memref_squeeze %dma_wait3A_646 : memref<1x8x1024xf32, #tpu.memory_space<hbm>> -> memref<8x1024xf32, #tpu.memory_space<hbm>>
      %dma_wait3A_648 = arith.constant 48 : i32
      %dma_wait3A_649 = arith.constant 0 : i32
      %dma_wait3A_650 = tpu.memref_slice %arg4[%dma_wait3A_648, %dma_wait3A_649] : memref<80x1024xf32, #tpu.memory_space<vmem>> -> memref<8x1024xf32, #tpu.memory_space<vmem>>
      %dma_wait3A_651 = tpu.memref_slice %arg2[%add3A_642, %mul3A_11, %mul3A_34] : memref<200x64x4096xf32, #tpu.memory_space<hbm>> -> memref<1x8x1024xf32, #tpu.memory_space<hbm>>
      %dma_wait3A_652 = tpu.memref_squeeze %dma_wait3A_651 : memref<1x8x1024xf32, #tpu.memory_space<hbm>> -> memref<8x1024xf32, #tpu.memory_space<hbm>>
      tpu.wait_dma2 semaphore(%arg11 : memref<!tpu.dma_semaphore, #tpu.memory_space<semaphore_mem>>) src(%dma_wait3A_652 : memref<8x1024xf32, #tpu.memory_space<hbm>>) dst(%dma_wait3A_650 : memref<8x1024xf32, #tpu.memory_space<vmem>>)
      %mul3A_653 = arith.constant 21 : i32
      %mul3A_654 = arith.muli %scan3A_334, %mul3A_653 : i32
      %add3A_655 = arith.constant 13 : i32
      %add3A_656 = arith.addi %mul3A_654, %add3A_655 : i32
      %add3A_657 = arith.constant 0 : i32
      %add3A_658 = arith.addi %add3A_656, %add3A_657 : i32
      %dma_start3A_659 = arith.constant 48 : i32
      %dma_start3A_660 = arith.constant 0 : i32
      %dma_start3A_661 = tpu.memref_slice %arg4[%dma_start3A_659, %dma_start3A_660] : memref<80x1024xf32, #tpu.memory_space<vmem>> -> memref<8x1024xf32, #tpu.memory_space<vmem>>
      %dma_start3A_662 = tpu.memref_slice %arg3[%add3A_658, %mul3A_11, %mul3A_34] : memref<420x64x4096xf32, #tpu.memory_space<hbm>> -> memref<1x8x1024xf32, #tpu.memory_space<hbm>>
      %dma_start3A_663 = tpu.memref_squeeze %dma_start3A_662 : memref<1x8x1024xf32, #tpu.memory_space<hbm>> -> memref<8x1024xf32, #tpu.memory_space<hbm>>
      %dma_start3A_664 = tpu.memref_slice %arg3[%add3A_658, %mul3A_11, %mul3A_34] : memref<420x64x4096xf32, #tpu.memory_space<hbm>> -> memref<1x8x1024xf32, #tpu.memory_space<hbm>>
      %dma_start3A_665 = tpu.memref_squeeze %dma_start3A_664 : memref<1x8x1024xf32, #tpu.memory_space<hbm>> -> memref<8x1024xf32, #tpu.memory_space<hbm>>
      %dma_start3A_666 = arith.constant 48 : i32
      %dma_start3A_667 = arith.constant 0 : i32
      %dma_start3A_668 = tpu.memref_slice %arg4[%dma_start3A_666, %dma_start3A_667] : memref<80x1024xf32, #tpu.memory_space<vmem>> -> memref<8x1024xf32, #tpu.memory_space<vmem>>
      tpu.enqueue_dma source(%dma_start3A_668 : memref<8x1024xf32, #tpu.memory_space<vmem>>) target(%dma_start3A_665 : memref<8x1024xf32, #tpu.memory_space<hbm>>) target_semaphore(%arg21 : memref<!tpu.dma_semaphore, #tpu.memory_space<semaphore_mem>>)
      %add3A_669 = arith.constant 1 : i32
      %add3A_670 = arith.addi %add3A_656, %add3A_669 : i32
      %dma_start3A_671 = arith.constant 48 : i32
      %dma_start3A_672 = arith.constant 0 : i32
      %dma_start3A_673 = tpu.memref_slice %arg4[%dma_start3A_671, %dma_start3A_672] : memref<80x1024xf32, #tpu.memory_space<vmem>> -> memref<8x1024xf32, #tpu.memory_space<vmem>>
      %dma_start3A_674 = tpu.memref_slice %arg3[%add3A_670, %mul3A_11, %mul3A_34] : memref<420x64x4096xf32, #tpu.memory_space<hbm>> -> memref<1x8x1024xf32, #tpu.memory_space<hbm>>
      %dma_start3A_675 = tpu.memref_squeeze %dma_start3A_674 : memref<1x8x1024xf32, #tpu.memory_space<hbm>> -> memref<8x1024xf32, #tpu.memory_space<hbm>>
      %dma_start3A_676 = tpu.memref_slice %arg3[%add3A_670, %mul3A_11, %mul3A_34] : memref<420x64x4096xf32, #tpu.memory_space<hbm>> -> memref<1x8x1024xf32, #tpu.memory_space<hbm>>
      %dma_start3A_677 = tpu.memref_squeeze %dma_start3A_676 : memref<1x8x1024xf32, #tpu.memory_space<hbm>> -> memref<8x1024xf32, #tpu.memory_space<hbm>>
      %dma_start3A_678 = arith.constant 48 : i32
      %dma_start3A_679 = arith.constant 0 : i32
      %dma_start3A_680 = tpu.memref_slice %arg4[%dma_start3A_678, %dma_start3A_679] : memref<80x1024xf32, #tpu.memory_space<vmem>> -> memref<8x1024xf32, #tpu.memory_space<vmem>>
      tpu.enqueue_dma source(%dma_start3A_680 : memref<8x1024xf32, #tpu.memory_space<vmem>>) target(%dma_start3A_677 : memref<8x1024xf32, #tpu.memory_space<hbm>>) target_semaphore(%arg21 : memref<!tpu.dma_semaphore, #tpu.memory_space<semaphore_mem>>)
      %add3A_681 = arith.constant 6 : i32
      %add3A_682 = arith.addi %add3A_642, %add3A_681 : i32
      %sub3A_683 = arith.constant 10 : i32
      %sub3A_684 = arith.subi %add3A_682, %sub3A_683 : i32
      %lt3A_685 = arith.constant 200 : i32
      %lt3A_686 = arith.cmpi slt, %add3A_682, %lt3A_685 : i32
      %convert_element_type3A_687 = arith.extui %lt3A_686 : i1 to i32
      %cond3A_688 = arith.constant 0 : i32
      %cond3A_689 = arith.cmpi ne, %convert_element_type3A_687, %cond3A_688 : i32
      scf.if %cond3A_689 {
        %ge3A = arith.constant 0 : i32
        %ge3A_837 = arith.cmpi sge, %sub3A_684, %ge3A : i32
        %convert_element_type3A_838 = arith.extui %ge3A_837 : i1 to i32
        %cond3A_839 = arith.constant 0 : i32
        %cond3A_840 = arith.cmpi ne, %convert_element_type3A_838, %cond3A_839 : i32
        scf.if %cond3A_840 {
          %jit3A_851 = arith.constant 10 : i32
          %div3A_852 = arith.divsi %sub3A_684, %jit3A_851 : i32
          %sign3A_853 = arith.constant 0 : i32
          %sign3A_854 = arith.cmpi sgt, %sub3A_684, %sign3A_853 : i32
          %sign3A_855 = arith.extui %sign3A_854 : i1 to i32
          %sign3A_856 = arith.constant 0 : i32
          %sign3A_857 = arith.cmpi slt, %sub3A_684, %sign3A_856 : i32
          %sign3A_858 = arith.extui %sign3A_857 : i1 to i32
          %sign3A_859 = arith.subi %sign3A_855, %sign3A_858 : i32
          %sign3A_860 = arith.constant 0 : i32
          %sign3A_861 = arith.cmpi sgt, %jit3A_851, %sign3A_860 : i32
          %sign3A_862 = arith.extui %sign3A_861 : i1 to i32
          %sign3A_863 = arith.constant 0 : i32
          %sign3A_864 = arith.cmpi slt, %jit3A_851, %sign3A_863 : i32
          %sign3A_865 = arith.extui %sign3A_864 : i1 to i32
          %sign3A_866 = arith.subi %sign3A_862, %sign3A_865 : i32
          %ne3A_867 = arith.cmpi ne, %sign3A_859, %sign3A_866 : i32
          %rem3A_868 = arith.remsi %sub3A_684, %jit3A_851 : i32
          %ne3A_869 = arith.constant 0 : i32
          %ne3A_870 = arith.cmpi ne, %rem3A_868, %ne3A_869 : i32
          %and3A_871 = arith.andi %ne3A_867, %ne3A_870 : i1
          %sub3A_872 = arith.constant 1 : i32
          %sub3A_873 = arith.subi %div3A_852, %sub3A_872 : i32
          %select_n3A_874 = arith.select %and3A_871, %sub3A_873, %div3A_852 : i32
          %mul3A_875 = arith.constant 21 : i32
          %mul3A_876 = arith.muli %select_n3A_874, %mul3A_875 : i32
          %add3A_877 = arith.constant 4 : i32
          %add3A_878 = arith.addi %mul3A_876, %add3A_877 : i32
          %add3A_879 = arith.constant 0 : i32
          %add3A_880 = arith.addi %add3A_878, %add3A_879 : i32
          %dma_wait3A_881 = arith.constant 16 : i32
          %dma_wait3A_882 = arith.constant 0 : i32
          %dma_wait3A_883 = tpu.memref_slice %arg4[%dma_wait3A_881, %dma_wait3A_882] : memref<80x1024xf32, #tpu.memory_space<vmem>> -> memref<8x1024xf32, #tpu.memory_space<vmem>>
          %dma_wait3A_884 = tpu.memref_slice %arg3[%add3A_880, %mul3A_11, %mul3A_34] : memref<420x64x4096xf32, #tpu.memory_space<hbm>> -> memref<1x8x1024xf32, #tpu.memory_space<hbm>>
          %dma_wait3A_885 = tpu.memref_squeeze %dma_wait3A_884 : memref<1x8x1024xf32, #tpu.memory_space<hbm>> -> memref<8x1024xf32, #tpu.memory_space<hbm>>
          %dma_wait3A_886 = tpu.memref_slice %arg3[%add3A_880, %mul3A_11, %mul3A_34] : memref<420x64x4096xf32, #tpu.memory_space<hbm>> -> memref<1x8x1024xf32, #tpu.memory_space<hbm>>
          %dma_wait3A_887 = tpu.memref_squeeze %dma_wait3A_886 : memref<1x8x1024xf32, #tpu.memory_space<hbm>> -> memref<8x1024xf32, #tpu.memory_space<hbm>>
          %dma_wait3A_888 = arith.constant 16 : i32
          %dma_wait3A_889 = arith.constant 0 : i32
          %dma_wait3A_890 = tpu.memref_slice %arg4[%dma_wait3A_888, %dma_wait3A_889] : memref<80x1024xf32, #tpu.memory_space<vmem>> -> memref<8x1024xf32, #tpu.memory_space<vmem>>
          tpu.wait_dma2 semaphore(%arg17 : memref<!tpu.dma_semaphore, #tpu.memory_space<semaphore_mem>>) src(%dma_wait3A_890 : memref<8x1024xf32, #tpu.memory_space<vmem>>) dst(%dma_wait3A_887 : memref<8x1024xf32, #tpu.memory_space<hbm>>)
          %add3A_891 = arith.constant 1 : i32
          %add3A_892 = arith.addi %add3A_878, %add3A_891 : i32
          %dma_wait3A_893 = arith.constant 16 : i32
          %dma_wait3A_894 = arith.constant 0 : i32
          %dma_wait3A_895 = tpu.memref_slice %arg4[%dma_wait3A_893, %dma_wait3A_894] : memref<80x1024xf32, #tpu.memory_space<vmem>> -> memref<8x1024xf32, #tpu.memory_space<vmem>>
          %dma_wait3A_896 = tpu.memref_slice %arg3[%add3A_892, %mul3A_11, %mul3A_34] : memref<420x64x4096xf32, #tpu.memory_space<hbm>> -> memref<1x8x1024xf32, #tpu.memory_space<hbm>>
          %dma_wait3A_897 = tpu.memref_squeeze %dma_wait3A_896 : memref<1x8x1024xf32, #tpu.memory_space<hbm>> -> memref<8x1024xf32, #tpu.memory_space<hbm>>
          %dma_wait3A_898 = tpu.memref_slice %arg3[%add3A_892, %mul3A_11, %mul3A_34] : memref<420x64x4096xf32, #tpu.memory_space<hbm>> -> memref<1x8x1024xf32, #tpu.memory_space<hbm>>
          %dma_wait3A_899 = tpu.memref_squeeze %dma_wait3A_898 : memref<1x8x1024xf32, #tpu.memory_space<hbm>> -> memref<8x1024xf32, #tpu.memory_space<hbm>>
          %dma_wait3A_900 = arith.constant 16 : i32
          %dma_wait3A_901 = arith.constant 0 : i32
          %dma_wait3A_902 = tpu.memref_slice %arg4[%dma_wait3A_900, %dma_wait3A_901] : memref<80x1024xf32, #tpu.memory_space<vmem>> -> memref<8x1024xf32, #tpu.memory_space<vmem>>
          tpu.wait_dma2 semaphore(%arg17 : memref<!tpu.dma_semaphore, #tpu.memory_space<semaphore_mem>>) src(%dma_wait3A_902 : memref<8x1024xf32, #tpu.memory_space<vmem>>) dst(%dma_wait3A_899 : memref<8x1024xf32, #tpu.memory_space<hbm>>)
        } else {
        }
        %dma_start3A_841 = arith.constant 16 : i32
        %dma_start3A_842 = arith.constant 0 : i32
        %dma_start3A_843 = tpu.memref_slice %arg4[%dma_start3A_841, %dma_start3A_842] : memref<80x1024xf32, #tpu.memory_space<vmem>> -> memref<8x1024xf32, #tpu.memory_space<vmem>>
        %dma_start3A_844 = tpu.memref_slice %arg2[%add3A_682, %mul3A_11, %mul3A_34] : memref<200x64x4096xf32, #tpu.memory_space<hbm>> -> memref<1x8x1024xf32, #tpu.memory_space<hbm>>
        %dma_start3A_845 = tpu.memref_squeeze %dma_start3A_844 : memref<1x8x1024xf32, #tpu.memory_space<hbm>> -> memref<8x1024xf32, #tpu.memory_space<hbm>>
        %dma_start3A_846 = arith.constant 16 : i32
        %dma_start3A_847 = arith.constant 0 : i32
        %dma_start3A_848 = tpu.memref_slice %arg4[%dma_start3A_846, %dma_start3A_847] : memref<80x1024xf32, #tpu.memory_space<vmem>> -> memref<8x1024xf32, #tpu.memory_space<vmem>>
        %dma_start3A_849 = tpu.memref_slice %arg2[%add3A_682, %mul3A_11, %mul3A_34] : memref<200x64x4096xf32, #tpu.memory_space<hbm>> -> memref<1x8x1024xf32, #tpu.memory_space<hbm>>
        %dma_start3A_850 = tpu.memref_squeeze %dma_start3A_849 : memref<1x8x1024xf32, #tpu.memory_space<hbm>> -> memref<8x1024xf32, #tpu.memory_space<hbm>>
        tpu.enqueue_dma source(%dma_start3A_850 : memref<8x1024xf32, #tpu.memory_space<hbm>>) target(%dma_start3A_848 : memref<8x1024xf32, #tpu.memory_space<vmem>>) target_semaphore(%arg7 : memref<!tpu.dma_semaphore, #tpu.memory_space<semaphore_mem>>)
      } else {
      }
      %add3A_690 = arith.constant 7 : i32
      %add3A_691 = arith.addi %mul3A_336, %add3A_690 : i32
      %dma_wait3A_692 = arith.constant 56 : i32
      %dma_wait3A_693 = arith.constant 0 : i32
      %dma_wait3A_694 = tpu.memref_slice %arg4[%dma_wait3A_692, %dma_wait3A_693] : memref<80x1024xf32, #tpu.memory_space<vmem>> -> memref<8x1024xf32, #tpu.memory_space<vmem>>
      %dma_wait3A_695 = tpu.memref_slice %arg2[%add3A_691, %mul3A_11, %mul3A_34] : memref<200x64x4096xf32, #tpu.memory_space<hbm>> -> memref<1x8x1024xf32, #tpu.memory_space<hbm>>
      %dma_wait3A_696 = tpu.memref_squeeze %dma_wait3A_695 : memref<1x8x1024xf32, #tpu.memory_space<hbm>> -> memref<8x1024xf32, #tpu.memory_space<hbm>>
      %dma_wait3A_697 = arith.constant 56 : i32
      %dma_wait3A_698 = arith.constant 0 : i32
      %dma_wait3A_699 = tpu.memref_slice %arg4[%dma_wait3A_697, %dma_wait3A_698] : memref<80x1024xf32, #tpu.memory_space<vmem>> -> memref<8x1024xf32, #tpu.memory_space<vmem>>
      %dma_wait3A_700 = tpu.memref_slice %arg2[%add3A_691, %mul3A_11, %mul3A_34] : memref<200x64x4096xf32, #tpu.memory_space<hbm>> -> memref<1x8x1024xf32, #tpu.memory_space<hbm>>
      %dma_wait3A_701 = tpu.memref_squeeze %dma_wait3A_700 : memref<1x8x1024xf32, #tpu.memory_space<hbm>> -> memref<8x1024xf32, #tpu.memory_space<hbm>>
      tpu.wait_dma2 semaphore(%arg12 : memref<!tpu.dma_semaphore, #tpu.memory_space<semaphore_mem>>) src(%dma_wait3A_701 : memref<8x1024xf32, #tpu.memory_space<hbm>>) dst(%dma_wait3A_699 : memref<8x1024xf32, #tpu.memory_space<vmem>>)
      %mul3A_702 = arith.constant 21 : i32
      %mul3A_703 = arith.muli %scan3A_334, %mul3A_702 : i32
      %add3A_704 = arith.constant 15 : i32
      %add3A_705 = arith.addi %mul3A_703, %add3A_704 : i32
      %add3A_706 = arith.constant 0 : i32
      %add3A_707 = arith.addi %add3A_705, %add3A_706 : i32
      %dma_start3A_708 = arith.constant 56 : i32
      %dma_start3A_709 = arith.constant 0 : i32
      %dma_start3A_710 = tpu.memref_slice %arg4[%dma_start3A_708, %dma_start3A_709] : memref<80x1024xf32, #tpu.memory_space<vmem>> -> memref<8x1024xf32, #tpu.memory_space<vmem>>
      %dma_start3A_711 = tpu.memref_slice %arg3[%add3A_707, %mul3A_11, %mul3A_34] : memref<420x64x4096xf32, #tpu.memory_space<hbm>> -> memref<1x8x1024xf32, #tpu.memory_space<hbm>>
      %dma_start3A_712 = tpu.memref_squeeze %dma_start3A_711 : memref<1x8x1024xf32, #tpu.memory_space<hbm>> -> memref<8x1024xf32, #tpu.memory_space<hbm>>
      %dma_start3A_713 = tpu.memref_slice %arg3[%add3A_707, %mul3A_11, %mul3A_34] : memref<420x64x4096xf32, #tpu.memory_space<hbm>> -> memref<1x8x1024xf32, #tpu.memory_space<hbm>>
      %dma_start3A_714 = tpu.memref_squeeze %dma_start3A_713 : memref<1x8x1024xf32, #tpu.memory_space<hbm>> -> memref<8x1024xf32, #tpu.memory_space<hbm>>
      %dma_start3A_715 = arith.constant 56 : i32
      %dma_start3A_716 = arith.constant 0 : i32
      %dma_start3A_717 = tpu.memref_slice %arg4[%dma_start3A_715, %dma_start3A_716] : memref<80x1024xf32, #tpu.memory_space<vmem>> -> memref<8x1024xf32, #tpu.memory_space<vmem>>
      tpu.enqueue_dma source(%dma_start3A_717 : memref<8x1024xf32, #tpu.memory_space<vmem>>) target(%dma_start3A_714 : memref<8x1024xf32, #tpu.memory_space<hbm>>) target_semaphore(%arg22 : memref<!tpu.dma_semaphore, #tpu.memory_space<semaphore_mem>>)
      %add3A_718 = arith.constant 1 : i32
      %add3A_719 = arith.addi %add3A_705, %add3A_718 : i32
      %dma_start3A_720 = arith.constant 56 : i32
      %dma_start3A_721 = arith.constant 0 : i32
      %dma_start3A_722 = tpu.memref_slice %arg4[%dma_start3A_720, %dma_start3A_721] : memref<80x1024xf32, #tpu.memory_space<vmem>> -> memref<8x1024xf32, #tpu.memory_space<vmem>>
      %dma_start3A_723 = tpu.memref_slice %arg3[%add3A_719, %mul3A_11, %mul3A_34] : memref<420x64x4096xf32, #tpu.memory_space<hbm>> -> memref<1x8x1024xf32, #tpu.memory_space<hbm>>
      %dma_start3A_724 = tpu.memref_squeeze %dma_start3A_723 : memref<1x8x1024xf32, #tpu.memory_space<hbm>> -> memref<8x1024xf32, #tpu.memory_space<hbm>>
      %dma_start3A_725 = tpu.memref_slice %arg3[%add3A_719, %mul3A_11, %mul3A_34] : memref<420x64x4096xf32, #tpu.memory_space<hbm>> -> memref<1x8x1024xf32, #tpu.memory_space<hbm>>
      %dma_start3A_726 = tpu.memref_squeeze %dma_start3A_725 : memref<1x8x1024xf32, #tpu.memory_space<hbm>> -> memref<8x1024xf32, #tpu.memory_space<hbm>>
      %dma_start3A_727 = arith.constant 56 : i32
      %dma_start3A_728 = arith.constant 0 : i32
      %dma_start3A_729 = tpu.memref_slice %arg4[%dma_start3A_727, %dma_start3A_728] : memref<80x1024xf32, #tpu.memory_space<vmem>> -> memref<8x1024xf32, #tpu.memory_space<vmem>>
      tpu.enqueue_dma source(%dma_start3A_729 : memref<8x1024xf32, #tpu.memory_space<vmem>>) target(%dma_start3A_726 : memref<8x1024xf32, #tpu.memory_space<hbm>>) target_semaphore(%arg22 : memref<!tpu.dma_semaphore, #tpu.memory_space<semaphore_mem>>)
      %add3A_730 = arith.constant 6 : i32
      %add3A_731 = arith.addi %add3A_691, %add3A_730 : i32
      %sub3A_732 = arith.constant 10 : i32
      %sub3A_733 = arith.subi %add3A_731, %sub3A_732 : i32
      %lt3A_734 = arith.constant 200 : i32
      %lt3A_735 = arith.cmpi slt, %add3A_731, %lt3A_734 : i32
      %convert_element_type3A_736 = arith.extui %lt3A_735 : i1 to i32
      %cond3A_737 = arith.constant 0 : i32
      %cond3A_738 = arith.cmpi ne, %convert_element_type3A_736, %cond3A_737 : i32
      scf.if %cond3A_738 {
        %ge3A = arith.constant 0 : i32
        %ge3A_837 = arith.cmpi sge, %sub3A_733, %ge3A : i32
        %convert_element_type3A_838 = arith.extui %ge3A_837 : i1 to i32
        %cond3A_839 = arith.constant 0 : i32
        %cond3A_840 = arith.cmpi ne, %convert_element_type3A_838, %cond3A_839 : i32
        scf.if %cond3A_840 {
          %jit3A_851 = arith.constant 10 : i32
          %div3A_852 = arith.divsi %sub3A_733, %jit3A_851 : i32
          %sign3A_853 = arith.constant 0 : i32
          %sign3A_854 = arith.cmpi sgt, %sub3A_733, %sign3A_853 : i32
          %sign3A_855 = arith.extui %sign3A_854 : i1 to i32
          %sign3A_856 = arith.constant 0 : i32
          %sign3A_857 = arith.cmpi slt, %sub3A_733, %sign3A_856 : i32
          %sign3A_858 = arith.extui %sign3A_857 : i1 to i32
          %sign3A_859 = arith.subi %sign3A_855, %sign3A_858 : i32
          %sign3A_860 = arith.constant 0 : i32
          %sign3A_861 = arith.cmpi sgt, %jit3A_851, %sign3A_860 : i32
          %sign3A_862 = arith.extui %sign3A_861 : i1 to i32
          %sign3A_863 = arith.constant 0 : i32
          %sign3A_864 = arith.cmpi slt, %jit3A_851, %sign3A_863 : i32
          %sign3A_865 = arith.extui %sign3A_864 : i1 to i32
          %sign3A_866 = arith.subi %sign3A_862, %sign3A_865 : i32
          %ne3A_867 = arith.cmpi ne, %sign3A_859, %sign3A_866 : i32
          %rem3A_868 = arith.remsi %sub3A_733, %jit3A_851 : i32
          %ne3A_869 = arith.constant 0 : i32
          %ne3A_870 = arith.cmpi ne, %rem3A_868, %ne3A_869 : i32
          %and3A_871 = arith.andi %ne3A_867, %ne3A_870 : i1
          %sub3A_872 = arith.constant 1 : i32
          %sub3A_873 = arith.subi %div3A_852, %sub3A_872 : i32
          %select_n3A_874 = arith.select %and3A_871, %sub3A_873, %div3A_852 : i32
          %mul3A_875 = arith.constant 21 : i32
          %mul3A_876 = arith.muli %select_n3A_874, %mul3A_875 : i32
          %add3A_877 = arith.constant 6 : i32
          %add3A_878 = arith.addi %mul3A_876, %add3A_877 : i32
          %add3A_879 = arith.constant 0 : i32
          %add3A_880 = arith.addi %add3A_878, %add3A_879 : i32
          %dma_wait3A_881 = arith.constant 24 : i32
          %dma_wait3A_882 = arith.constant 0 : i32
          %dma_wait3A_883 = tpu.memref_slice %arg4[%dma_wait3A_881, %dma_wait3A_882] : memref<80x1024xf32, #tpu.memory_space<vmem>> -> memref<8x1024xf32, #tpu.memory_space<vmem>>
          %dma_wait3A_884 = tpu.memref_slice %arg3[%add3A_880, %mul3A_11, %mul3A_34] : memref<420x64x4096xf32, #tpu.memory_space<hbm>> -> memref<1x8x1024xf32, #tpu.memory_space<hbm>>
          %dma_wait3A_885 = tpu.memref_squeeze %dma_wait3A_884 : memref<1x8x1024xf32, #tpu.memory_space<hbm>> -> memref<8x1024xf32, #tpu.memory_space<hbm>>
          %dma_wait3A_886 = tpu.memref_slice %arg3[%add3A_880, %mul3A_11, %mul3A_34] : memref<420x64x4096xf32, #tpu.memory_space<hbm>> -> memref<1x8x1024xf32, #tpu.memory_space<hbm>>
          %dma_wait3A_887 = tpu.memref_squeeze %dma_wait3A_886 : memref<1x8x1024xf32, #tpu.memory_space<hbm>> -> memref<8x1024xf32, #tpu.memory_space<hbm>>
          %dma_wait3A_888 = arith.constant 24 : i32
          %dma_wait3A_889 = arith.constant 0 : i32
          %dma_wait3A_890 = tpu.memref_slice %arg4[%dma_wait3A_888, %dma_wait3A_889] : memref<80x1024xf32, #tpu.memory_space<vmem>> -> memref<8x1024xf32, #tpu.memory_space<vmem>>
          tpu.wait_dma2 semaphore(%arg18 : memref<!tpu.dma_semaphore, #tpu.memory_space<semaphore_mem>>) src(%dma_wait3A_890 : memref<8x1024xf32, #tpu.memory_space<vmem>>) dst(%dma_wait3A_887 : memref<8x1024xf32, #tpu.memory_space<hbm>>)
          %add3A_891 = arith.constant 1 : i32
          %add3A_892 = arith.addi %add3A_878, %add3A_891 : i32
          %dma_wait3A_893 = arith.constant 24 : i32
          %dma_wait3A_894 = arith.constant 0 : i32
          %dma_wait3A_895 = tpu.memref_slice %arg4[%dma_wait3A_893, %dma_wait3A_894] : memref<80x1024xf32, #tpu.memory_space<vmem>> -> memref<8x1024xf32, #tpu.memory_space<vmem>>
          %dma_wait3A_896 = tpu.memref_slice %arg3[%add3A_892, %mul3A_11, %mul3A_34] : memref<420x64x4096xf32, #tpu.memory_space<hbm>> -> memref<1x8x1024xf32, #tpu.memory_space<hbm>>
          %dma_wait3A_897 = tpu.memref_squeeze %dma_wait3A_896 : memref<1x8x1024xf32, #tpu.memory_space<hbm>> -> memref<8x1024xf32, #tpu.memory_space<hbm>>
          %dma_wait3A_898 = tpu.memref_slice %arg3[%add3A_892, %mul3A_11, %mul3A_34] : memref<420x64x4096xf32, #tpu.memory_space<hbm>> -> memref<1x8x1024xf32, #tpu.memory_space<hbm>>
          %dma_wait3A_899 = tpu.memref_squeeze %dma_wait3A_898 : memref<1x8x1024xf32, #tpu.memory_space<hbm>> -> memref<8x1024xf32, #tpu.memory_space<hbm>>
          %dma_wait3A_900 = arith.constant 24 : i32
          %dma_wait3A_901 = arith.constant 0 : i32
          %dma_wait3A_902 = tpu.memref_slice %arg4[%dma_wait3A_900, %dma_wait3A_901] : memref<80x1024xf32, #tpu.memory_space<vmem>> -> memref<8x1024xf32, #tpu.memory_space<vmem>>
          tpu.wait_dma2 semaphore(%arg18 : memref<!tpu.dma_semaphore, #tpu.memory_space<semaphore_mem>>) src(%dma_wait3A_902 : memref<8x1024xf32, #tpu.memory_space<vmem>>) dst(%dma_wait3A_899 : memref<8x1024xf32, #tpu.memory_space<hbm>>)
        } else {
        }
        %dma_start3A_841 = arith.constant 24 : i32
        %dma_start3A_842 = arith.constant 0 : i32
        %dma_start3A_843 = tpu.memref_slice %arg4[%dma_start3A_841, %dma_start3A_842] : memref<80x1024xf32, #tpu.memory_space<vmem>> -> memref<8x1024xf32, #tpu.memory_space<vmem>>
        %dma_start3A_844 = tpu.memref_slice %arg2[%add3A_731, %mul3A_11, %mul3A_34] : memref<200x64x4096xf32, #tpu.memory_space<hbm>> -> memref<1x8x1024xf32, #tpu.memory_space<hbm>>
        %dma_start3A_845 = tpu.memref_squeeze %dma_start3A_844 : memref<1x8x1024xf32, #tpu.memory_space<hbm>> -> memref<8x1024xf32, #tpu.memory_space<hbm>>
        %dma_start3A_846 = arith.constant 24 : i32
        %dma_start3A_847 = arith.constant 0 : i32
        %dma_start3A_848 = tpu.memref_slice %arg4[%dma_start3A_846, %dma_start3A_847] : memref<80x1024xf32, #tpu.memory_space<vmem>> -> memref<8x1024xf32, #tpu.memory_space<vmem>>
        %dma_start3A_849 = tpu.memref_slice %arg2[%add3A_731, %mul3A_11, %mul3A_34] : memref<200x64x4096xf32, #tpu.memory_space<hbm>> -> memref<1x8x1024xf32, #tpu.memory_space<hbm>>
        %dma_start3A_850 = tpu.memref_squeeze %dma_start3A_849 : memref<1x8x1024xf32, #tpu.memory_space<hbm>> -> memref<8x1024xf32, #tpu.memory_space<hbm>>
        tpu.enqueue_dma source(%dma_start3A_850 : memref<8x1024xf32, #tpu.memory_space<hbm>>) target(%dma_start3A_848 : memref<8x1024xf32, #tpu.memory_space<vmem>>) target_semaphore(%arg8 : memref<!tpu.dma_semaphore, #tpu.memory_space<semaphore_mem>>)
      } else {
      }
      %add3A_739 = arith.constant 8 : i32
      %add3A_740 = arith.addi %mul3A_336, %add3A_739 : i32
      %dma_wait3A_741 = arith.constant 64 : i32
      %dma_wait3A_742 = arith.constant 0 : i32
      %dma_wait3A_743 = tpu.memref_slice %arg4[%dma_wait3A_741, %dma_wait3A_742] : memref<80x1024xf32, #tpu.memory_space<vmem>> -> memref<8x1024xf32, #tpu.memory_space<vmem>>
      %dma_wait3A_744 = tpu.memref_slice %arg2[%add3A_740, %mul3A_11, %mul3A_34] : memref<200x64x4096xf32, #tpu.memory_space<hbm>> -> memref<1x8x1024xf32, #tpu.memory_space<hbm>>
      %dma_wait3A_745 = tpu.memref_squeeze %dma_wait3A_744 : memref<1x8x1024xf32, #tpu.memory_space<hbm>> -> memref<8x1024xf32, #tpu.memory_space<hbm>>
      %dma_wait3A_746 = arith.constant 64 : i32
      %dma_wait3A_747 = arith.constant 0 : i32
      %dma_wait3A_748 = tpu.memref_slice %arg4[%dma_wait3A_746, %dma_wait3A_747] : memref<80x1024xf32, #tpu.memory_space<vmem>> -> memref<8x1024xf32, #tpu.memory_space<vmem>>
      %dma_wait3A_749 = tpu.memref_slice %arg2[%add3A_740, %mul3A_11, %mul3A_34] : memref<200x64x4096xf32, #tpu.memory_space<hbm>> -> memref<1x8x1024xf32, #tpu.memory_space<hbm>>
      %dma_wait3A_750 = tpu.memref_squeeze %dma_wait3A_749 : memref<1x8x1024xf32, #tpu.memory_space<hbm>> -> memref<8x1024xf32, #tpu.memory_space<hbm>>
      tpu.wait_dma2 semaphore(%arg13 : memref<!tpu.dma_semaphore, #tpu.memory_space<semaphore_mem>>) src(%dma_wait3A_750 : memref<8x1024xf32, #tpu.memory_space<hbm>>) dst(%dma_wait3A_748 : memref<8x1024xf32, #tpu.memory_space<vmem>>)
      %mul3A_751 = arith.constant 21 : i32
      %mul3A_752 = arith.muli %scan3A_334, %mul3A_751 : i32
      %add3A_753 = arith.constant 17 : i32
      %add3A_754 = arith.addi %mul3A_752, %add3A_753 : i32
      %add3A_755 = arith.constant 0 : i32
      %add3A_756 = arith.addi %add3A_754, %add3A_755 : i32
      %dma_start3A_757 = arith.constant 64 : i32
      %dma_start3A_758 = arith.constant 0 : i32
      %dma_start3A_759 = tpu.memref_slice %arg4[%dma_start3A_757, %dma_start3A_758] : memref<80x1024xf32, #tpu.memory_space<vmem>> -> memref<8x1024xf32, #tpu.memory_space<vmem>>
      %dma_start3A_760 = tpu.memref_slice %arg3[%add3A_756, %mul3A_11, %mul3A_34] : memref<420x64x4096xf32, #tpu.memory_space<hbm>> -> memref<1x8x1024xf32, #tpu.memory_space<hbm>>
      %dma_start3A_761 = tpu.memref_squeeze %dma_start3A_760 : memref<1x8x1024xf32, #tpu.memory_space<hbm>> -> memref<8x1024xf32, #tpu.memory_space<hbm>>
      %dma_start3A_762 = tpu.memref_slice %arg3[%add3A_756, %mul3A_11, %mul3A_34] : memref<420x64x4096xf32, #tpu.memory_space<hbm>> -> memref<1x8x1024xf32, #tpu.memory_space<hbm>>
      %dma_start3A_763 = tpu.memref_squeeze %dma_start3A_762 : memref<1x8x1024xf32, #tpu.memory_space<hbm>> -> memref<8x1024xf32, #tpu.memory_space<hbm>>
      %dma_start3A_764 = arith.constant 64 : i32
      %dma_start3A_765 = arith.constant 0 : i32
      %dma_start3A_766 = tpu.memref_slice %arg4[%dma_start3A_764, %dma_start3A_765] : memref<80x1024xf32, #tpu.memory_space<vmem>> -> memref<8x1024xf32, #tpu.memory_space<vmem>>
      tpu.enqueue_dma source(%dma_start3A_766 : memref<8x1024xf32, #tpu.memory_space<vmem>>) target(%dma_start3A_763 : memref<8x1024xf32, #tpu.memory_space<hbm>>) target_semaphore(%arg23 : memref<!tpu.dma_semaphore, #tpu.memory_space<semaphore_mem>>)
      %add3A_767 = arith.constant 1 : i32
      %add3A_768 = arith.addi %add3A_754, %add3A_767 : i32
      %dma_start3A_769 = arith.constant 64 : i32
      %dma_start3A_770 = arith.constant 0 : i32
      %dma_start3A_771 = tpu.memref_slice %arg4[%dma_start3A_769, %dma_start3A_770] : memref<80x1024xf32, #tpu.memory_space<vmem>> -> memref<8x1024xf32, #tpu.memory_space<vmem>>
      %dma_start3A_772 = tpu.memref_slice %arg3[%add3A_768, %mul3A_11, %mul3A_34] : memref<420x64x4096xf32, #tpu.memory_space<hbm>> -> memref<1x8x1024xf32, #tpu.memory_space<hbm>>
      %dma_start3A_773 = tpu.memref_squeeze %dma_start3A_772 : memref<1x8x1024xf32, #tpu.memory_space<hbm>> -> memref<8x1024xf32, #tpu.memory_space<hbm>>
      %dma_start3A_774 = tpu.memref_slice %arg3[%add3A_768, %mul3A_11, %mul3A_34] : memref<420x64x4096xf32, #tpu.memory_space<hbm>> -> memref<1x8x1024xf32, #tpu.memory_space<hbm>>
      %dma_start3A_775 = tpu.memref_squeeze %dma_start3A_774 : memref<1x8x1024xf32, #tpu.memory_space<hbm>> -> memref<8x1024xf32, #tpu.memory_space<hbm>>
      %dma_start3A_776 = arith.constant 64 : i32
      %dma_start3A_777 = arith.constant 0 : i32
      %dma_start3A_778 = tpu.memref_slice %arg4[%dma_start3A_776, %dma_start3A_777] : memref<80x1024xf32, #tpu.memory_space<vmem>> -> memref<8x1024xf32, #tpu.memory_space<vmem>>
      tpu.enqueue_dma source(%dma_start3A_778 : memref<8x1024xf32, #tpu.memory_space<vmem>>) target(%dma_start3A_775 : memref<8x1024xf32, #tpu.memory_space<hbm>>) target_semaphore(%arg23 : memref<!tpu.dma_semaphore, #tpu.memory_space<semaphore_mem>>)
      %add3A_779 = arith.constant 6 : i32
      %add3A_780 = arith.addi %add3A_740, %add3A_779 : i32
      %sub3A_781 = arith.constant 10 : i32
      %sub3A_782 = arith.subi %add3A_780, %sub3A_781 : i32
      %lt3A_783 = arith.constant 200 : i32
      %lt3A_784 = arith.cmpi slt, %add3A_780, %lt3A_783 : i32
      %convert_element_type3A_785 = arith.extui %lt3A_784 : i1 to i32
      %cond3A_786 = arith.constant 0 : i32
      %cond3A_787 = arith.cmpi ne, %convert_element_type3A_785, %cond3A_786 : i32
      scf.if %cond3A_787 {
        %ge3A = arith.constant 0 : i32
        %ge3A_837 = arith.cmpi sge, %sub3A_782, %ge3A : i32
        %convert_element_type3A_838 = arith.extui %ge3A_837 : i1 to i32
        %cond3A_839 = arith.constant 0 : i32
        %cond3A_840 = arith.cmpi ne, %convert_element_type3A_838, %cond3A_839 : i32
        scf.if %cond3A_840 {
          %jit3A_851 = arith.constant 10 : i32
          %div3A_852 = arith.divsi %sub3A_782, %jit3A_851 : i32
          %sign3A_853 = arith.constant 0 : i32
          %sign3A_854 = arith.cmpi sgt, %sub3A_782, %sign3A_853 : i32
          %sign3A_855 = arith.extui %sign3A_854 : i1 to i32
          %sign3A_856 = arith.constant 0 : i32
          %sign3A_857 = arith.cmpi slt, %sub3A_782, %sign3A_856 : i32
          %sign3A_858 = arith.extui %sign3A_857 : i1 to i32
          %sign3A_859 = arith.subi %sign3A_855, %sign3A_858 : i32
          %sign3A_860 = arith.constant 0 : i32
          %sign3A_861 = arith.cmpi sgt, %jit3A_851, %sign3A_860 : i32
          %sign3A_862 = arith.extui %sign3A_861 : i1 to i32
          %sign3A_863 = arith.constant 0 : i32
          %sign3A_864 = arith.cmpi slt, %jit3A_851, %sign3A_863 : i32
          %sign3A_865 = arith.extui %sign3A_864 : i1 to i32
          %sign3A_866 = arith.subi %sign3A_862, %sign3A_865 : i32
          %ne3A_867 = arith.cmpi ne, %sign3A_859, %sign3A_866 : i32
          %rem3A_868 = arith.remsi %sub3A_782, %jit3A_851 : i32
          %ne3A_869 = arith.constant 0 : i32
          %ne3A_870 = arith.cmpi ne, %rem3A_868, %ne3A_869 : i32
          %and3A_871 = arith.andi %ne3A_867, %ne3A_870 : i1
          %sub3A_872 = arith.constant 1 : i32
          %sub3A_873 = arith.subi %div3A_852, %sub3A_872 : i32
          %select_n3A_874 = arith.select %and3A_871, %sub3A_873, %div3A_852 : i32
          %mul3A_875 = arith.constant 21 : i32
          %mul3A_876 = arith.muli %select_n3A_874, %mul3A_875 : i32
          %add3A_877 = arith.constant 8 : i32
          %add3A_878 = arith.addi %mul3A_876, %add3A_877 : i32
          %add3A_879 = arith.constant 0 : i32
          %add3A_880 = arith.addi %add3A_878, %add3A_879 : i32
          %dma_wait3A_881 = arith.constant 32 : i32
          %dma_wait3A_882 = arith.constant 0 : i32
          %dma_wait3A_883 = tpu.memref_slice %arg4[%dma_wait3A_881, %dma_wait3A_882] : memref<80x1024xf32, #tpu.memory_space<vmem>> -> memref<8x1024xf32, #tpu.memory_space<vmem>>
          %dma_wait3A_884 = tpu.memref_slice %arg3[%add3A_880, %mul3A_11, %mul3A_34] : memref<420x64x4096xf32, #tpu.memory_space<hbm>> -> memref<1x8x1024xf32, #tpu.memory_space<hbm>>
          %dma_wait3A_885 = tpu.memref_squeeze %dma_wait3A_884 : memref<1x8x1024xf32, #tpu.memory_space<hbm>> -> memref<8x1024xf32, #tpu.memory_space<hbm>>
          %dma_wait3A_886 = tpu.memref_slice %arg3[%add3A_880, %mul3A_11, %mul3A_34] : memref<420x64x4096xf32, #tpu.memory_space<hbm>> -> memref<1x8x1024xf32, #tpu.memory_space<hbm>>
          %dma_wait3A_887 = tpu.memref_squeeze %dma_wait3A_886 : memref<1x8x1024xf32, #tpu.memory_space<hbm>> -> memref<8x1024xf32, #tpu.memory_space<hbm>>
          %dma_wait3A_888 = arith.constant 32 : i32
          %dma_wait3A_889 = arith.constant 0 : i32
          %dma_wait3A_890 = tpu.memref_slice %arg4[%dma_wait3A_888, %dma_wait3A_889] : memref<80x1024xf32, #tpu.memory_space<vmem>> -> memref<8x1024xf32, #tpu.memory_space<vmem>>
          tpu.wait_dma2 semaphore(%arg19 : memref<!tpu.dma_semaphore, #tpu.memory_space<semaphore_mem>>) src(%dma_wait3A_890 : memref<8x1024xf32, #tpu.memory_space<vmem>>) dst(%dma_wait3A_887 : memref<8x1024xf32, #tpu.memory_space<hbm>>)
          %add3A_891 = arith.constant 1 : i32
          %add3A_892 = arith.addi %add3A_878, %add3A_891 : i32
          %dma_wait3A_893 = arith.constant 32 : i32
          %dma_wait3A_894 = arith.constant 0 : i32
          %dma_wait3A_895 = tpu.memref_slice %arg4[%dma_wait3A_893, %dma_wait3A_894] : memref<80x1024xf32, #tpu.memory_space<vmem>> -> memref<8x1024xf32, #tpu.memory_space<vmem>>
          %dma_wait3A_896 = tpu.memref_slice %arg3[%add3A_892, %mul3A_11, %mul3A_34] : memref<420x64x4096xf32, #tpu.memory_space<hbm>> -> memref<1x8x1024xf32, #tpu.memory_space<hbm>>
          %dma_wait3A_897 = tpu.memref_squeeze %dma_wait3A_896 : memref<1x8x1024xf32, #tpu.memory_space<hbm>> -> memref<8x1024xf32, #tpu.memory_space<hbm>>
          %dma_wait3A_898 = tpu.memref_slice %arg3[%add3A_892, %mul3A_11, %mul3A_34] : memref<420x64x4096xf32, #tpu.memory_space<hbm>> -> memref<1x8x1024xf32, #tpu.memory_space<hbm>>
          %dma_wait3A_899 = tpu.memref_squeeze %dma_wait3A_898 : memref<1x8x1024xf32, #tpu.memory_space<hbm>> -> memref<8x1024xf32, #tpu.memory_space<hbm>>
          %dma_wait3A_900 = arith.constant 32 : i32
          %dma_wait3A_901 = arith.constant 0 : i32
          %dma_wait3A_902 = tpu.memref_slice %arg4[%dma_wait3A_900, %dma_wait3A_901] : memref<80x1024xf32, #tpu.memory_space<vmem>> -> memref<8x1024xf32, #tpu.memory_space<vmem>>
          tpu.wait_dma2 semaphore(%arg19 : memref<!tpu.dma_semaphore, #tpu.memory_space<semaphore_mem>>) src(%dma_wait3A_902 : memref<8x1024xf32, #tpu.memory_space<vmem>>) dst(%dma_wait3A_899 : memref<8x1024xf32, #tpu.memory_space<hbm>>)
        } else {
        }
        %dma_start3A_841 = arith.constant 32 : i32
        %dma_start3A_842 = arith.constant 0 : i32
        %dma_start3A_843 = tpu.memref_slice %arg4[%dma_start3A_841, %dma_start3A_842] : memref<80x1024xf32, #tpu.memory_space<vmem>> -> memref<8x1024xf32, #tpu.memory_space<vmem>>
        %dma_start3A_844 = tpu.memref_slice %arg2[%add3A_780, %mul3A_11, %mul3A_34] : memref<200x64x4096xf32, #tpu.memory_space<hbm>> -> memref<1x8x1024xf32, #tpu.memory_space<hbm>>
        %dma_start3A_845 = tpu.memref_squeeze %dma_start3A_844 : memref<1x8x1024xf32, #tpu.memory_space<hbm>> -> memref<8x1024xf32, #tpu.memory_space<hbm>>
        %dma_start3A_846 = arith.constant 32 : i32
        %dma_start3A_847 = arith.constant 0 : i32
        %dma_start3A_848 = tpu.memref_slice %arg4[%dma_start3A_846, %dma_start3A_847] : memref<80x1024xf32, #tpu.memory_space<vmem>> -> memref<8x1024xf32, #tpu.memory_space<vmem>>
        %dma_start3A_849 = tpu.memref_slice %arg2[%add3A_780, %mul3A_11, %mul3A_34] : memref<200x64x4096xf32, #tpu.memory_space<hbm>> -> memref<1x8x1024xf32, #tpu.memory_space<hbm>>
        %dma_start3A_850 = tpu.memref_squeeze %dma_start3A_849 : memref<1x8x1024xf32, #tpu.memory_space<hbm>> -> memref<8x1024xf32, #tpu.memory_space<hbm>>
        tpu.enqueue_dma source(%dma_start3A_850 : memref<8x1024xf32, #tpu.memory_space<hbm>>) target(%dma_start3A_848 : memref<8x1024xf32, #tpu.memory_space<vmem>>) target_semaphore(%arg9 : memref<!tpu.dma_semaphore, #tpu.memory_space<semaphore_mem>>)
      } else {
      }
      %add3A_788 = arith.constant 9 : i32
      %add3A_789 = arith.addi %mul3A_336, %add3A_788 : i32
      %dma_wait3A_790 = arith.constant 72 : i32
      %dma_wait3A_791 = arith.constant 0 : i32
      %dma_wait3A_792 = tpu.memref_slice %arg4[%dma_wait3A_790, %dma_wait3A_791] : memref<80x1024xf32, #tpu.memory_space<vmem>> -> memref<8x1024xf32, #tpu.memory_space<vmem>>
      %dma_wait3A_793 = tpu.memref_slice %arg2[%add3A_789, %mul3A_11, %mul3A_34] : memref<200x64x4096xf32, #tpu.memory_space<hbm>> -> memref<1x8x1024xf32, #tpu.memory_space<hbm>>
      %dma_wait3A_794 = tpu.memref_squeeze %dma_wait3A_793 : memref<1x8x1024xf32, #tpu.memory_space<hbm>> -> memref<8x1024xf32, #tpu.memory_space<hbm>>
      %dma_wait3A_795 = arith.constant 72 : i32
      %dma_wait3A_796 = arith.constant 0 : i32
      %dma_wait3A_797 = tpu.memref_slice %arg4[%dma_wait3A_795, %dma_wait3A_796] : memref<80x1024xf32, #tpu.memory_space<vmem>> -> memref<8x1024xf32, #tpu.memory_space<vmem>>
      %dma_wait3A_798 = tpu.memref_slice %arg2[%add3A_789, %mul3A_11, %mul3A_34] : memref<200x64x4096xf32, #tpu.memory_space<hbm>> -> memref<1x8x1024xf32, #tpu.memory_space<hbm>>
      %dma_wait3A_799 = tpu.memref_squeeze %dma_wait3A_798 : memref<1x8x1024xf32, #tpu.memory_space<hbm>> -> memref<8x1024xf32, #tpu.memory_space<hbm>>
      tpu.wait_dma2 semaphore(%arg14 : memref<!tpu.dma_semaphore, #tpu.memory_space<semaphore_mem>>) src(%dma_wait3A_799 : memref<8x1024xf32, #tpu.memory_space<hbm>>) dst(%dma_wait3A_797 : memref<8x1024xf32, #tpu.memory_space<vmem>>)
      %mul3A_800 = arith.constant 21 : i32
      %mul3A_801 = arith.muli %scan3A_334, %mul3A_800 : i32
      %add3A_802 = arith.constant 19 : i32
      %add3A_803 = arith.addi %mul3A_801, %add3A_802 : i32
      %add3A_804 = arith.constant 0 : i32
      %add3A_805 = arith.addi %add3A_803, %add3A_804 : i32
      %dma_start3A_806 = arith.constant 72 : i32
      %dma_start3A_807 = arith.constant 0 : i32
      %dma_start3A_808 = tpu.memref_slice %arg4[%dma_start3A_806, %dma_start3A_807] : memref<80x1024xf32, #tpu.memory_space<vmem>> -> memref<8x1024xf32, #tpu.memory_space<vmem>>
      %dma_start3A_809 = tpu.memref_slice %arg3[%add3A_805, %mul3A_11, %mul3A_34] : memref<420x64x4096xf32, #tpu.memory_space<hbm>> -> memref<1x8x1024xf32, #tpu.memory_space<hbm>>
      %dma_start3A_810 = tpu.memref_squeeze %dma_start3A_809 : memref<1x8x1024xf32, #tpu.memory_space<hbm>> -> memref<8x1024xf32, #tpu.memory_space<hbm>>
      %dma_start3A_811 = tpu.memref_slice %arg3[%add3A_805, %mul3A_11, %mul3A_34] : memref<420x64x4096xf32, #tpu.memory_space<hbm>> -> memref<1x8x1024xf32, #tpu.memory_space<hbm>>
      %dma_start3A_812 = tpu.memref_squeeze %dma_start3A_811 : memref<1x8x1024xf32, #tpu.memory_space<hbm>> -> memref<8x1024xf32, #tpu.memory_space<hbm>>
      %dma_start3A_813 = arith.constant 72 : i32
      %dma_start3A_814 = arith.constant 0 : i32
      %dma_start3A_815 = tpu.memref_slice %arg4[%dma_start3A_813, %dma_start3A_814] : memref<80x1024xf32, #tpu.memory_space<vmem>> -> memref<8x1024xf32, #tpu.memory_space<vmem>>
      tpu.enqueue_dma source(%dma_start3A_815 : memref<8x1024xf32, #tpu.memory_space<vmem>>) target(%dma_start3A_812 : memref<8x1024xf32, #tpu.memory_space<hbm>>) target_semaphore(%arg24 : memref<!tpu.dma_semaphore, #tpu.memory_space<semaphore_mem>>)
      %add3A_816 = arith.constant 1 : i32
      %add3A_817 = arith.addi %add3A_803, %add3A_816 : i32
      %dma_start3A_818 = arith.constant 72 : i32
      %dma_start3A_819 = arith.constant 0 : i32
      %dma_start3A_820 = tpu.memref_slice %arg4[%dma_start3A_818, %dma_start3A_819] : memref<80x1024xf32, #tpu.memory_space<vmem>> -> memref<8x1024xf32, #tpu.memory_space<vmem>>
      %dma_start3A_821 = tpu.memref_slice %arg3[%add3A_817, %mul3A_11, %mul3A_34] : memref<420x64x4096xf32, #tpu.memory_space<hbm>> -> memref<1x8x1024xf32, #tpu.memory_space<hbm>>
      %dma_start3A_822 = tpu.memref_squeeze %dma_start3A_821 : memref<1x8x1024xf32, #tpu.memory_space<hbm>> -> memref<8x1024xf32, #tpu.memory_space<hbm>>
      %dma_start3A_823 = tpu.memref_slice %arg3[%add3A_817, %mul3A_11, %mul3A_34] : memref<420x64x4096xf32, #tpu.memory_space<hbm>> -> memref<1x8x1024xf32, #tpu.memory_space<hbm>>
      %dma_start3A_824 = tpu.memref_squeeze %dma_start3A_823 : memref<1x8x1024xf32, #tpu.memory_space<hbm>> -> memref<8x1024xf32, #tpu.memory_space<hbm>>
      %dma_start3A_825 = arith.constant 72 : i32
      %dma_start3A_826 = arith.constant 0 : i32
      %dma_start3A_827 = tpu.memref_slice %arg4[%dma_start3A_825, %dma_start3A_826] : memref<80x1024xf32, #tpu.memory_space<vmem>> -> memref<8x1024xf32, #tpu.memory_space<vmem>>
      tpu.enqueue_dma source(%dma_start3A_827 : memref<8x1024xf32, #tpu.memory_space<vmem>>) target(%dma_start3A_824 : memref<8x1024xf32, #tpu.memory_space<hbm>>) target_semaphore(%arg24 : memref<!tpu.dma_semaphore, #tpu.memory_space<semaphore_mem>>)
      %add3A_828 = arith.constant 6 : i32
      %add3A_829 = arith.addi %add3A_789, %add3A_828 : i32
      %sub3A_830 = arith.constant 10 : i32
      %sub3A_831 = arith.subi %add3A_829, %sub3A_830 : i32
      %lt3A_832 = arith.constant 200 : i32
      %lt3A_833 = arith.cmpi slt, %add3A_829, %lt3A_832 : i32
      %convert_element_type3A_834 = arith.extui %lt3A_833 : i1 to i32
      %cond3A_835 = arith.constant 0 : i32
      %cond3A_836 = arith.cmpi ne, %convert_element_type3A_834, %cond3A_835 : i32
      scf.if %cond3A_836 {
        %ge3A = arith.constant 0 : i32
        %ge3A_837 = arith.cmpi sge, %sub3A_831, %ge3A : i32
        %convert_element_type3A_838 = arith.extui %ge3A_837 : i1 to i32
        %cond3A_839 = arith.constant 0 : i32
        %cond3A_840 = arith.cmpi ne, %convert_element_type3A_838, %cond3A_839 : i32
        scf.if %cond3A_840 {
          %jit3A_851 = arith.constant 10 : i32
          %div3A_852 = arith.divsi %sub3A_831, %jit3A_851 : i32
          %sign3A_853 = arith.constant 0 : i32
          %sign3A_854 = arith.cmpi sgt, %sub3A_831, %sign3A_853 : i32
          %sign3A_855 = arith.extui %sign3A_854 : i1 to i32
          %sign3A_856 = arith.constant 0 : i32
          %sign3A_857 = arith.cmpi slt, %sub3A_831, %sign3A_856 : i32
          %sign3A_858 = arith.extui %sign3A_857 : i1 to i32
          %sign3A_859 = arith.subi %sign3A_855, %sign3A_858 : i32
          %sign3A_860 = arith.constant 0 : i32
          %sign3A_861 = arith.cmpi sgt, %jit3A_851, %sign3A_860 : i32
          %sign3A_862 = arith.extui %sign3A_861 : i1 to i32
          %sign3A_863 = arith.constant 0 : i32
          %sign3A_864 = arith.cmpi slt, %jit3A_851, %sign3A_863 : i32
          %sign3A_865 = arith.extui %sign3A_864 : i1 to i32
          %sign3A_866 = arith.subi %sign3A_862, %sign3A_865 : i32
          %ne3A_867 = arith.cmpi ne, %sign3A_859, %sign3A_866 : i32
          %rem3A_868 = arith.remsi %sub3A_831, %jit3A_851 : i32
          %ne3A_869 = arith.constant 0 : i32
          %ne3A_870 = arith.cmpi ne, %rem3A_868, %ne3A_869 : i32
          %and3A_871 = arith.andi %ne3A_867, %ne3A_870 : i1
          %sub3A_872 = arith.constant 1 : i32
          %sub3A_873 = arith.subi %div3A_852, %sub3A_872 : i32
          %select_n3A_874 = arith.select %and3A_871, %sub3A_873, %div3A_852 : i32
          %mul3A_875 = arith.constant 21 : i32
          %mul3A_876 = arith.muli %select_n3A_874, %mul3A_875 : i32
          %add3A_877 = arith.constant 10 : i32
          %add3A_878 = arith.addi %mul3A_876, %add3A_877 : i32
          %add3A_879 = arith.constant 0 : i32
          %add3A_880 = arith.addi %add3A_878, %add3A_879 : i32
          %dma_wait3A_881 = arith.constant 40 : i32
          %dma_wait3A_882 = arith.constant 0 : i32
          %dma_wait3A_883 = tpu.memref_slice %arg4[%dma_wait3A_881, %dma_wait3A_882] : memref<80x1024xf32, #tpu.memory_space<vmem>> -> memref<8x1024xf32, #tpu.memory_space<vmem>>
          %dma_wait3A_884 = tpu.memref_slice %arg3[%add3A_880, %mul3A_11, %mul3A_34] : memref<420x64x4096xf32, #tpu.memory_space<hbm>> -> memref<1x8x1024xf32, #tpu.memory_space<hbm>>
          %dma_wait3A_885 = tpu.memref_squeeze %dma_wait3A_884 : memref<1x8x1024xf32, #tpu.memory_space<hbm>> -> memref<8x1024xf32, #tpu.memory_space<hbm>>
          %dma_wait3A_886 = tpu.memref_slice %arg3[%add3A_880, %mul3A_11, %mul3A_34] : memref<420x64x4096xf32, #tpu.memory_space<hbm>> -> memref<1x8x1024xf32, #tpu.memory_space<hbm>>
          %dma_wait3A_887 = tpu.memref_squeeze %dma_wait3A_886 : memref<1x8x1024xf32, #tpu.memory_space<hbm>> -> memref<8x1024xf32, #tpu.memory_space<hbm>>
          %dma_wait3A_888 = arith.constant 40 : i32
          %dma_wait3A_889 = arith.constant 0 : i32
          %dma_wait3A_890 = tpu.memref_slice %arg4[%dma_wait3A_888, %dma_wait3A_889] : memref<80x1024xf32, #tpu.memory_space<vmem>> -> memref<8x1024xf32, #tpu.memory_space<vmem>>
          tpu.wait_dma2 semaphore(%arg20 : memref<!tpu.dma_semaphore, #tpu.memory_space<semaphore_mem>>) src(%dma_wait3A_890 : memref<8x1024xf32, #tpu.memory_space<vmem>>) dst(%dma_wait3A_887 : memref<8x1024xf32, #tpu.memory_space<hbm>>)
          %add3A_891 = arith.constant 1 : i32
          %add3A_892 = arith.addi %add3A_878, %add3A_891 : i32
          %dma_wait3A_893 = arith.constant 40 : i32
          %dma_wait3A_894 = arith.constant 0 : i32
          %dma_wait3A_895 = tpu.memref_slice %arg4[%dma_wait3A_893, %dma_wait3A_894] : memref<80x1024xf32, #tpu.memory_space<vmem>> -> memref<8x1024xf32, #tpu.memory_space<vmem>>
          %dma_wait3A_896 = tpu.memref_slice %arg3[%add3A_892, %mul3A_11, %mul3A_34] : memref<420x64x4096xf32, #tpu.memory_space<hbm>> -> memref<1x8x1024xf32, #tpu.memory_space<hbm>>
          %dma_wait3A_897 = tpu.memref_squeeze %dma_wait3A_896 : memref<1x8x1024xf32, #tpu.memory_space<hbm>> -> memref<8x1024xf32, #tpu.memory_space<hbm>>
          %dma_wait3A_898 = tpu.memref_slice %arg3[%add3A_892, %mul3A_11, %mul3A_34] : memref<420x64x4096xf32, #tpu.memory_space<hbm>> -> memref<1x8x1024xf32, #tpu.memory_space<hbm>>
          %dma_wait3A_899 = tpu.memref_squeeze %dma_wait3A_898 : memref<1x8x1024xf32, #tpu.memory_space<hbm>> -> memref<8x1024xf32, #tpu.memory_space<hbm>>
          %dma_wait3A_900 = arith.constant 40 : i32
          %dma_wait3A_901 = arith.constant 0 : i32
          %dma_wait3A_902 = tpu.memref_slice %arg4[%dma_wait3A_900, %dma_wait3A_901] : memref<80x1024xf32, #tpu.memory_space<vmem>> -> memref<8x1024xf32, #tpu.memory_space<vmem>>
          tpu.wait_dma2 semaphore(%arg20 : memref<!tpu.dma_semaphore, #tpu.memory_space<semaphore_mem>>) src(%dma_wait3A_902 : memref<8x1024xf32, #tpu.memory_space<vmem>>) dst(%dma_wait3A_899 : memref<8x1024xf32, #tpu.memory_space<hbm>>)
          %add3A_903 = arith.constant 2 : i32
          %add3A_904 = arith.addi %add3A_878, %add3A_903 : i32
          %dma_wait3A_905 = arith.constant 40 : i32
          %dma_wait3A_906 = arith.constant 0 : i32
          %dma_wait3A_907 = tpu.memref_slice %arg4[%dma_wait3A_905, %dma_wait3A_906] : memref<80x1024xf32, #tpu.memory_space<vmem>> -> memref<8x1024xf32, #tpu.memory_space<vmem>>
          %dma_wait3A_908 = tpu.memref_slice %arg3[%add3A_904, %mul3A_11, %mul3A_34] : memref<420x64x4096xf32, #tpu.memory_space<hbm>> -> memref<1x8x1024xf32, #tpu.memory_space<hbm>>
          %dma_wait3A_909 = tpu.memref_squeeze %dma_wait3A_908 : memref<1x8x1024xf32, #tpu.memory_space<hbm>> -> memref<8x1024xf32, #tpu.memory_space<hbm>>
          %dma_wait3A_910 = tpu.memref_slice %arg3[%add3A_904, %mul3A_11, %mul3A_34] : memref<420x64x4096xf32, #tpu.memory_space<hbm>> -> memref<1x8x1024xf32, #tpu.memory_space<hbm>>
          %dma_wait3A_911 = tpu.memref_squeeze %dma_wait3A_910 : memref<1x8x1024xf32, #tpu.memory_space<hbm>> -> memref<8x1024xf32, #tpu.memory_space<hbm>>
          %dma_wait3A_912 = arith.constant 40 : i32
          %dma_wait3A_913 = arith.constant 0 : i32
          %dma_wait3A_914 = tpu.memref_slice %arg4[%dma_wait3A_912, %dma_wait3A_913] : memref<80x1024xf32, #tpu.memory_space<vmem>> -> memref<8x1024xf32, #tpu.memory_space<vmem>>
          tpu.wait_dma2 semaphore(%arg20 : memref<!tpu.dma_semaphore, #tpu.memory_space<semaphore_mem>>) src(%dma_wait3A_914 : memref<8x1024xf32, #tpu.memory_space<vmem>>) dst(%dma_wait3A_911 : memref<8x1024xf32, #tpu.memory_space<hbm>>)
        } else {
        }
        %dma_start3A_841 = arith.constant 40 : i32
        %dma_start3A_842 = arith.constant 0 : i32
        %dma_start3A_843 = tpu.memref_slice %arg4[%dma_start3A_841, %dma_start3A_842] : memref<80x1024xf32, #tpu.memory_space<vmem>> -> memref<8x1024xf32, #tpu.memory_space<vmem>>
        %dma_start3A_844 = tpu.memref_slice %arg2[%add3A_829, %mul3A_11, %mul3A_34] : memref<200x64x4096xf32, #tpu.memory_space<hbm>> -> memref<1x8x1024xf32, #tpu.memory_space<hbm>>
        %dma_start3A_845 = tpu.memref_squeeze %dma_start3A_844 : memref<1x8x1024xf32, #tpu.memory_space<hbm>> -> memref<8x1024xf32, #tpu.memory_space<hbm>>
        %dma_start3A_846 = arith.constant 40 : i32
        %dma_start3A_847 = arith.constant 0 : i32
        %dma_start3A_848 = tpu.memref_slice %arg4[%dma_start3A_846, %dma_start3A_847] : memref<80x1024xf32, #tpu.memory_space<vmem>> -> memref<8x1024xf32, #tpu.memory_space<vmem>>
        %dma_start3A_849 = tpu.memref_slice %arg2[%add3A_829, %mul3A_11, %mul3A_34] : memref<200x64x4096xf32, #tpu.memory_space<hbm>> -> memref<1x8x1024xf32, #tpu.memory_space<hbm>>
        %dma_start3A_850 = tpu.memref_squeeze %dma_start3A_849 : memref<1x8x1024xf32, #tpu.memory_space<hbm>> -> memref<8x1024xf32, #tpu.memory_space<hbm>>
        tpu.enqueue_dma source(%dma_start3A_850 : memref<8x1024xf32, #tpu.memory_space<hbm>>) target(%dma_start3A_848 : memref<8x1024xf32, #tpu.memory_space<vmem>>) target_semaphore(%arg10 : memref<!tpu.dma_semaphore, #tpu.memory_space<semaphore_mem>>)
      } else {
      }
    }
    %scan3A_103 = arith.constant 20 : i32
    %dma_wait3A = arith.constant 399 : i32
    %dma_wait3A_104 = arith.constant 0 : i32
    %dma_wait3A_105 = arith.constant 0 : i32
    %dma_wait3A_106 = tpu.memref_slice %arg4[%dma_wait3A_104, %dma_wait3A_105] : memref<80x1024xf32, #tpu.memory_space<vmem>> -> memref<8x1024xf32, #tpu.memory_space<vmem>>
    %dma_wait3A_107 = tpu.memref_slice %arg3[%dma_wait3A, %mul3A_11, %mul3A_34] : memref<420x64x4096xf32, #tpu.memory_space<hbm>> -> memref<1x8x1024xf32, #tpu.memory_space<hbm>>
    %dma_wait3A_108 = tpu.memref_squeeze %dma_wait3A_107 : memref<1x8x1024xf32, #tpu.memory_space<hbm>> -> memref<8x1024xf32, #tpu.memory_space<hbm>>
    %dma_wait3A_109 = tpu.memref_slice %arg3[%dma_wait3A, %mul3A_11, %mul3A_34] : memref<420x64x4096xf32, #tpu.memory_space<hbm>> -> memref<1x8x1024xf32, #tpu.memory_space<hbm>>
    %dma_wait3A_110 = tpu.memref_squeeze %dma_wait3A_109 : memref<1x8x1024xf32, #tpu.memory_space<hbm>> -> memref<8x1024xf32, #tpu.memory_space<hbm>>
    %dma_wait3A_111 = arith.constant 0 : i32
    %dma_wait3A_112 = arith.constant 0 : i32
    %dma_wait3A_113 = tpu.memref_slice %arg4[%dma_wait3A_111, %dma_wait3A_112] : memref<80x1024xf32, #tpu.memory_space<vmem>> -> memref<8x1024xf32, #tpu.memory_space<vmem>>
    tpu.wait_dma2 semaphore(%arg15 : memref<!tpu.dma_semaphore, #tpu.memory_space<semaphore_mem>>) src(%dma_wait3A_113 : memref<8x1024xf32, #tpu.memory_space<vmem>>) dst(%dma_wait3A_110 : memref<8x1024xf32, #tpu.memory_space<hbm>>)
    %dma_wait3A_114 = arith.constant 400 : i32
    %dma_wait3A_115 = arith.constant 0 : i32
    %dma_wait3A_116 = arith.constant 0 : i32
    %dma_wait3A_117 = tpu.memref_slice %arg4[%dma_wait3A_115, %dma_wait3A_116] : memref<80x1024xf32, #tpu.memory_space<vmem>> -> memref<8x1024xf32, #tpu.memory_space<vmem>>
    %dma_wait3A_118 = tpu.memref_slice %arg3[%dma_wait3A_114, %mul3A_11, %mul3A_34] : memref<420x64x4096xf32, #tpu.memory_space<hbm>> -> memref<1x8x1024xf32, #tpu.memory_space<hbm>>
    %dma_wait3A_119 = tpu.memref_squeeze %dma_wait3A_118 : memref<1x8x1024xf32, #tpu.memory_space<hbm>> -> memref<8x1024xf32, #tpu.memory_space<hbm>>
    %dma_wait3A_120 = tpu.memref_slice %arg3[%dma_wait3A_114, %mul3A_11, %mul3A_34] : memref<420x64x4096xf32, #tpu.memory_space<hbm>> -> memref<1x8x1024xf32, #tpu.memory_space<hbm>>
    %dma_wait3A_121 = tpu.memref_squeeze %dma_wait3A_120 : memref<1x8x1024xf32, #tpu.memory_space<hbm>> -> memref<8x1024xf32, #tpu.memory_space<hbm>>
    %dma_wait3A_122 = arith.constant 0 : i32
    %dma_wait3A_123 = arith.constant 0 : i32
    %dma_wait3A_124 = tpu.memref_slice %arg4[%dma_wait3A_122, %dma_wait3A_123] : memref<80x1024xf32, #tpu.memory_space<vmem>> -> memref<8x1024xf32, #tpu.memory_space<vmem>>
    tpu.wait_dma2 semaphore(%arg15 : memref<!tpu.dma_semaphore, #tpu.memory_space<semaphore_mem>>) src(%dma_wait3A_124 : memref<8x1024xf32, #tpu.memory_space<vmem>>) dst(%dma_wait3A_121 : memref<8x1024xf32, #tpu.memory_space<hbm>>)
    %dma_wait3A_125 = arith.constant 401 : i32
    %dma_wait3A_126 = arith.constant 8 : i32
    %dma_wait3A_127 = arith.constant 0 : i32
    %dma_wait3A_128 = tpu.memref_slice %arg4[%dma_wait3A_126, %dma_wait3A_127] : memref<80x1024xf32, #tpu.memory_space<vmem>> -> memref<8x1024xf32, #tpu.memory_space<vmem>>
    %dma_wait3A_129 = tpu.memref_slice %arg3[%dma_wait3A_125, %mul3A_11, %mul3A_34] : memref<420x64x4096xf32, #tpu.memory_space<hbm>> -> memref<1x8x1024xf32, #tpu.memory_space<hbm>>
    %dma_wait3A_130 = tpu.memref_squeeze %dma_wait3A_129 : memref<1x8x1024xf32, #tpu.memory_space<hbm>> -> memref<8x1024xf32, #tpu.memory_space<hbm>>
    %dma_wait3A_131 = tpu.memref_slice %arg3[%dma_wait3A_125, %mul3A_11, %mul3A_34] : memref<420x64x4096xf32, #tpu.memory_space<hbm>> -> memref<1x8x1024xf32, #tpu.memory_space<hbm>>
    %dma_wait3A_132 = tpu.memref_squeeze %dma_wait3A_131 : memref<1x8x1024xf32, #tpu.memory_space<hbm>> -> memref<8x1024xf32, #tpu.memory_space<hbm>>
    %dma_wait3A_133 = arith.constant 8 : i32
    %dma_wait3A_134 = arith.constant 0 : i32
    %dma_wait3A_135 = tpu.memref_slice %arg4[%dma_wait3A_133, %dma_wait3A_134] : memref<80x1024xf32, #tpu.memory_space<vmem>> -> memref<8x1024xf32, #tpu.memory_space<vmem>>
    tpu.wait_dma2 semaphore(%arg16 : memref<!tpu.dma_semaphore, #tpu.memory_space<semaphore_mem>>) src(%dma_wait3A_135 : memref<8x1024xf32, #tpu.memory_space<vmem>>) dst(%dma_wait3A_132 : memref<8x1024xf32, #tpu.memory_space<hbm>>)
    %dma_wait3A_136 = arith.constant 402 : i32
    %dma_wait3A_137 = arith.constant 8 : i32
    %dma_wait3A_138 = arith.constant 0 : i32
    %dma_wait3A_139 = tpu.memref_slice %arg4[%dma_wait3A_137, %dma_wait3A_138] : memref<80x1024xf32, #tpu.memory_space<vmem>> -> memref<8x1024xf32, #tpu.memory_space<vmem>>
    %dma_wait3A_140 = tpu.memref_slice %arg3[%dma_wait3A_136, %mul3A_11, %mul3A_34] : memref<420x64x4096xf32, #tpu.memory_space<hbm>> -> memref<1x8x1024xf32, #tpu.memory_space<hbm>>
    %dma_wait3A_141 = tpu.memref_squeeze %dma_wait3A_140 : memref<1x8x1024xf32, #tpu.memory_space<hbm>> -> memref<8x1024xf32, #tpu.memory_space<hbm>>
    %dma_wait3A_142 = tpu.memref_slice %arg3[%dma_wait3A_136, %mul3A_11, %mul3A_34] : memref<420x64x4096xf32, #tpu.memory_space<hbm>> -> memref<1x8x1024xf32, #tpu.memory_space<hbm>>
    %dma_wait3A_143 = tpu.memref_squeeze %dma_wait3A_142 : memref<1x8x1024xf32, #tpu.memory_space<hbm>> -> memref<8x1024xf32, #tpu.memory_space<hbm>>
    %dma_wait3A_144 = arith.constant 8 : i32
    %dma_wait3A_145 = arith.constant 0 : i32
    %dma_wait3A_146 = tpu.memref_slice %arg4[%dma_wait3A_144, %dma_wait3A_145] : memref<80x1024xf32, #tpu.memory_space<vmem>> -> memref<8x1024xf32, #tpu.memory_space<vmem>>
    tpu.wait_dma2 semaphore(%arg16 : memref<!tpu.dma_semaphore, #tpu.memory_space<semaphore_mem>>) src(%dma_wait3A_146 : memref<8x1024xf32, #tpu.memory_space<vmem>>) dst(%dma_wait3A_143 : memref<8x1024xf32, #tpu.memory_space<hbm>>)
    %dma_wait3A_147 = arith.constant 403 : i32
    %dma_wait3A_148 = arith.constant 16 : i32
    %dma_wait3A_149 = arith.constant 0 : i32
    %dma_wait3A_150 = tpu.memref_slice %arg4[%dma_wait3A_148, %dma_wait3A_149] : memref<80x1024xf32, #tpu.memory_space<vmem>> -> memref<8x1024xf32, #tpu.memory_space<vmem>>
    %dma_wait3A_151 = tpu.memref_slice %arg3[%dma_wait3A_147, %mul3A_11, %mul3A_34] : memref<420x64x4096xf32, #tpu.memory_space<hbm>> -> memref<1x8x1024xf32, #tpu.memory_space<hbm>>
    %dma_wait3A_152 = tpu.memref_squeeze %dma_wait3A_151 : memref<1x8x1024xf32, #tpu.memory_space<hbm>> -> memref<8x1024xf32, #tpu.memory_space<hbm>>
    %dma_wait3A_153 = tpu.memref_slice %arg3[%dma_wait3A_147, %mul3A_11, %mul3A_34] : memref<420x64x4096xf32, #tpu.memory_space<hbm>> -> memref<1x8x1024xf32, #tpu.memory_space<hbm>>
    %dma_wait3A_154 = tpu.memref_squeeze %dma_wait3A_153 : memref<1x8x1024xf32, #tpu.memory_space<hbm>> -> memref<8x1024xf32, #tpu.memory_space<hbm>>
    %dma_wait3A_155 = arith.constant 16 : i32
    %dma_wait3A_156 = arith.constant 0 : i32
    %dma_wait3A_157 = tpu.memref_slice %arg4[%dma_wait3A_155, %dma_wait3A_156] : memref<80x1024xf32, #tpu.memory_space<vmem>> -> memref<8x1024xf32, #tpu.memory_space<vmem>>
    tpu.wait_dma2 semaphore(%arg17 : memref<!tpu.dma_semaphore, #tpu.memory_space<semaphore_mem>>) src(%dma_wait3A_157 : memref<8x1024xf32, #tpu.memory_space<vmem>>) dst(%dma_wait3A_154 : memref<8x1024xf32, #tpu.memory_space<hbm>>)
    %dma_wait3A_158 = arith.constant 404 : i32
    %dma_wait3A_159 = arith.constant 16 : i32
    %dma_wait3A_160 = arith.constant 0 : i32
    %dma_wait3A_161 = tpu.memref_slice %arg4[%dma_wait3A_159, %dma_wait3A_160] : memref<80x1024xf32, #tpu.memory_space<vmem>> -> memref<8x1024xf32, #tpu.memory_space<vmem>>
    %dma_wait3A_162 = tpu.memref_slice %arg3[%dma_wait3A_158, %mul3A_11, %mul3A_34] : memref<420x64x4096xf32, #tpu.memory_space<hbm>> -> memref<1x8x1024xf32, #tpu.memory_space<hbm>>
    %dma_wait3A_163 = tpu.memref_squeeze %dma_wait3A_162 : memref<1x8x1024xf32, #tpu.memory_space<hbm>> -> memref<8x1024xf32, #tpu.memory_space<hbm>>
    %dma_wait3A_164 = tpu.memref_slice %arg3[%dma_wait3A_158, %mul3A_11, %mul3A_34] : memref<420x64x4096xf32, #tpu.memory_space<hbm>> -> memref<1x8x1024xf32, #tpu.memory_space<hbm>>
    %dma_wait3A_165 = tpu.memref_squeeze %dma_wait3A_164 : memref<1x8x1024xf32, #tpu.memory_space<hbm>> -> memref<8x1024xf32, #tpu.memory_space<hbm>>
    %dma_wait3A_166 = arith.constant 16 : i32
    %dma_wait3A_167 = arith.constant 0 : i32
    %dma_wait3A_168 = tpu.memref_slice %arg4[%dma_wait3A_166, %dma_wait3A_167] : memref<80x1024xf32, #tpu.memory_space<vmem>> -> memref<8x1024xf32, #tpu.memory_space<vmem>>
    tpu.wait_dma2 semaphore(%arg17 : memref<!tpu.dma_semaphore, #tpu.memory_space<semaphore_mem>>) src(%dma_wait3A_168 : memref<8x1024xf32, #tpu.memory_space<vmem>>) dst(%dma_wait3A_165 : memref<8x1024xf32, #tpu.memory_space<hbm>>)
    %dma_wait3A_169 = arith.constant 405 : i32
    %dma_wait3A_170 = arith.constant 24 : i32
    %dma_wait3A_171 = arith.constant 0 : i32
    %dma_wait3A_172 = tpu.memref_slice %arg4[%dma_wait3A_170, %dma_wait3A_171] : memref<80x1024xf32, #tpu.memory_space<vmem>> -> memref<8x1024xf32, #tpu.memory_space<vmem>>
    %dma_wait3A_173 = tpu.memref_slice %arg3[%dma_wait3A_169, %mul3A_11, %mul3A_34] : memref<420x64x4096xf32, #tpu.memory_space<hbm>> -> memref<1x8x1024xf32, #tpu.memory_space<hbm>>
    %dma_wait3A_174 = tpu.memref_squeeze %dma_wait3A_173 : memref<1x8x1024xf32, #tpu.memory_space<hbm>> -> memref<8x1024xf32, #tpu.memory_space<hbm>>
    %dma_wait3A_175 = tpu.memref_slice %arg3[%dma_wait3A_169, %mul3A_11, %mul3A_34] : memref<420x64x4096xf32, #tpu.memory_space<hbm>> -> memref<1x8x1024xf32, #tpu.memory_space<hbm>>
    %dma_wait3A_176 = tpu.memref_squeeze %dma_wait3A_175 : memref<1x8x1024xf32, #tpu.memory_space<hbm>> -> memref<8x1024xf32, #tpu.memory_space<hbm>>
    %dma_wait3A_177 = arith.constant 24 : i32
    %dma_wait3A_178 = arith.constant 0 : i32
    %dma_wait3A_179 = tpu.memref_slice %arg4[%dma_wait3A_177, %dma_wait3A_178] : memref<80x1024xf32, #tpu.memory_space<vmem>> -> memref<8x1024xf32, #tpu.memory_space<vmem>>
    tpu.wait_dma2 semaphore(%arg18 : memref<!tpu.dma_semaphore, #tpu.memory_space<semaphore_mem>>) src(%dma_wait3A_179 : memref<8x1024xf32, #tpu.memory_space<vmem>>) dst(%dma_wait3A_176 : memref<8x1024xf32, #tpu.memory_space<hbm>>)
    %dma_wait3A_180 = arith.constant 406 : i32
    %dma_wait3A_181 = arith.constant 24 : i32
    %dma_wait3A_182 = arith.constant 0 : i32
    %dma_wait3A_183 = tpu.memref_slice %arg4[%dma_wait3A_181, %dma_wait3A_182] : memref<80x1024xf32, #tpu.memory_space<vmem>> -> memref<8x1024xf32, #tpu.memory_space<vmem>>
    %dma_wait3A_184 = tpu.memref_slice %arg3[%dma_wait3A_180, %mul3A_11, %mul3A_34] : memref<420x64x4096xf32, #tpu.memory_space<hbm>> -> memref<1x8x1024xf32, #tpu.memory_space<hbm>>
    %dma_wait3A_185 = tpu.memref_squeeze %dma_wait3A_184 : memref<1x8x1024xf32, #tpu.memory_space<hbm>> -> memref<8x1024xf32, #tpu.memory_space<hbm>>
    %dma_wait3A_186 = tpu.memref_slice %arg3[%dma_wait3A_180, %mul3A_11, %mul3A_34] : memref<420x64x4096xf32, #tpu.memory_space<hbm>> -> memref<1x8x1024xf32, #tpu.memory_space<hbm>>
    %dma_wait3A_187 = tpu.memref_squeeze %dma_wait3A_186 : memref<1x8x1024xf32, #tpu.memory_space<hbm>> -> memref<8x1024xf32, #tpu.memory_space<hbm>>
    %dma_wait3A_188 = arith.constant 24 : i32
    %dma_wait3A_189 = arith.constant 0 : i32
    %dma_wait3A_190 = tpu.memref_slice %arg4[%dma_wait3A_188, %dma_wait3A_189] : memref<80x1024xf32, #tpu.memory_space<vmem>> -> memref<8x1024xf32, #tpu.memory_space<vmem>>
    tpu.wait_dma2 semaphore(%arg18 : memref<!tpu.dma_semaphore, #tpu.memory_space<semaphore_mem>>) src(%dma_wait3A_190 : memref<8x1024xf32, #tpu.memory_space<vmem>>) dst(%dma_wait3A_187 : memref<8x1024xf32, #tpu.memory_space<hbm>>)
    %dma_wait3A_191 = arith.constant 407 : i32
    %dma_wait3A_192 = arith.constant 32 : i32
    %dma_wait3A_193 = arith.constant 0 : i32
    %dma_wait3A_194 = tpu.memref_slice %arg4[%dma_wait3A_192, %dma_wait3A_193] : memref<80x1024xf32, #tpu.memory_space<vmem>> -> memref<8x1024xf32, #tpu.memory_space<vmem>>
    %dma_wait3A_195 = tpu.memref_slice %arg3[%dma_wait3A_191, %mul3A_11, %mul3A_34] : memref<420x64x4096xf32, #tpu.memory_space<hbm>> -> memref<1x8x1024xf32, #tpu.memory_space<hbm>>
    %dma_wait3A_196 = tpu.memref_squeeze %dma_wait3A_195 : memref<1x8x1024xf32, #tpu.memory_space<hbm>> -> memref<8x1024xf32, #tpu.memory_space<hbm>>
    %dma_wait3A_197 = tpu.memref_slice %arg3[%dma_wait3A_191, %mul3A_11, %mul3A_34] : memref<420x64x4096xf32, #tpu.memory_space<hbm>> -> memref<1x8x1024xf32, #tpu.memory_space<hbm>>
    %dma_wait3A_198 = tpu.memref_squeeze %dma_wait3A_197 : memref<1x8x1024xf32, #tpu.memory_space<hbm>> -> memref<8x1024xf32, #tpu.memory_space<hbm>>
    %dma_wait3A_199 = arith.constant 32 : i32
    %dma_wait3A_200 = arith.constant 0 : i32
    %dma_wait3A_201 = tpu.memref_slice %arg4[%dma_wait3A_199, %dma_wait3A_200] : memref<80x1024xf32, #tpu.memory_space<vmem>> -> memref<8x1024xf32, #tpu.memory_space<vmem>>
    tpu.wait_dma2 semaphore(%arg19 : memref<!tpu.dma_semaphore, #tpu.memory_space<semaphore_mem>>) src(%dma_wait3A_201 : memref<8x1024xf32, #tpu.memory_space<vmem>>) dst(%dma_wait3A_198 : memref<8x1024xf32, #tpu.memory_space<hbm>>)
    %dma_wait3A_202 = arith.constant 408 : i32
    %dma_wait3A_203 = arith.constant 32 : i32
    %dma_wait3A_204 = arith.constant 0 : i32
    %dma_wait3A_205 = tpu.memref_slice %arg4[%dma_wait3A_203, %dma_wait3A_204] : memref<80x1024xf32, #tpu.memory_space<vmem>> -> memref<8x1024xf32, #tpu.memory_space<vmem>>
    %dma_wait3A_206 = tpu.memref_slice %arg3[%dma_wait3A_202, %mul3A_11, %mul3A_34] : memref<420x64x4096xf32, #tpu.memory_space<hbm>> -> memref<1x8x1024xf32, #tpu.memory_space<hbm>>
    %dma_wait3A_207 = tpu.memref_squeeze %dma_wait3A_206 : memref<1x8x1024xf32, #tpu.memory_space<hbm>> -> memref<8x1024xf32, #tpu.memory_space<hbm>>
    %dma_wait3A_208 = tpu.memref_slice %arg3[%dma_wait3A_202, %mul3A_11, %mul3A_34] : memref<420x64x4096xf32, #tpu.memory_space<hbm>> -> memref<1x8x1024xf32, #tpu.memory_space<hbm>>
    %dma_wait3A_209 = tpu.memref_squeeze %dma_wait3A_208 : memref<1x8x1024xf32, #tpu.memory_space<hbm>> -> memref<8x1024xf32, #tpu.memory_space<hbm>>
    %dma_wait3A_210 = arith.constant 32 : i32
    %dma_wait3A_211 = arith.constant 0 : i32
    %dma_wait3A_212 = tpu.memref_slice %arg4[%dma_wait3A_210, %dma_wait3A_211] : memref<80x1024xf32, #tpu.memory_space<vmem>> -> memref<8x1024xf32, #tpu.memory_space<vmem>>
    tpu.wait_dma2 semaphore(%arg19 : memref<!tpu.dma_semaphore, #tpu.memory_space<semaphore_mem>>) src(%dma_wait3A_212 : memref<8x1024xf32, #tpu.memory_space<vmem>>) dst(%dma_wait3A_209 : memref<8x1024xf32, #tpu.memory_space<hbm>>)
    %dma_wait3A_213 = arith.constant 409 : i32
    %dma_wait3A_214 = arith.constant 40 : i32
    %dma_wait3A_215 = arith.constant 0 : i32
    %dma_wait3A_216 = tpu.memref_slice %arg4[%dma_wait3A_214, %dma_wait3A_215] : memref<80x1024xf32, #tpu.memory_space<vmem>> -> memref<8x1024xf32, #tpu.memory_space<vmem>>
    %dma_wait3A_217 = tpu.memref_slice %arg3[%dma_wait3A_213, %mul3A_11, %mul3A_34] : memref<420x64x4096xf32, #tpu.memory_space<hbm>> -> memref<1x8x1024xf32, #tpu.memory_space<hbm>>
    %dma_wait3A_218 = tpu.memref_squeeze %dma_wait3A_217 : memref<1x8x1024xf32, #tpu.memory_space<hbm>> -> memref<8x1024xf32, #tpu.memory_space<hbm>>
    %dma_wait3A_219 = tpu.memref_slice %arg3[%dma_wait3A_213, %mul3A_11, %mul3A_34] : memref<420x64x4096xf32, #tpu.memory_space<hbm>> -> memref<1x8x1024xf32, #tpu.memory_space<hbm>>
    %dma_wait3A_220 = tpu.memref_squeeze %dma_wait3A_219 : memref<1x8x1024xf32, #tpu.memory_space<hbm>> -> memref<8x1024xf32, #tpu.memory_space<hbm>>
    %dma_wait3A_221 = arith.constant 40 : i32
    %dma_wait3A_222 = arith.constant 0 : i32
    %dma_wait3A_223 = tpu.memref_slice %arg4[%dma_wait3A_221, %dma_wait3A_222] : memref<80x1024xf32, #tpu.memory_space<vmem>> -> memref<8x1024xf32, #tpu.memory_space<vmem>>
    tpu.wait_dma2 semaphore(%arg20 : memref<!tpu.dma_semaphore, #tpu.memory_space<semaphore_mem>>) src(%dma_wait3A_223 : memref<8x1024xf32, #tpu.memory_space<vmem>>) dst(%dma_wait3A_220 : memref<8x1024xf32, #tpu.memory_space<hbm>>)
    %dma_wait3A_224 = arith.constant 410 : i32
    %dma_wait3A_225 = arith.constant 40 : i32
    %dma_wait3A_226 = arith.constant 0 : i32
    %dma_wait3A_227 = tpu.memref_slice %arg4[%dma_wait3A_225, %dma_wait3A_226] : memref<80x1024xf32, #tpu.memory_space<vmem>> -> memref<8x1024xf32, #tpu.memory_space<vmem>>
    %dma_wait3A_228 = tpu.memref_slice %arg3[%dma_wait3A_224, %mul3A_11, %mul3A_34] : memref<420x64x4096xf32, #tpu.memory_space<hbm>> -> memref<1x8x1024xf32, #tpu.memory_space<hbm>>
    %dma_wait3A_229 = tpu.memref_squeeze %dma_wait3A_228 : memref<1x8x1024xf32, #tpu.memory_space<hbm>> -> memref<8x1024xf32, #tpu.memory_space<hbm>>
    %dma_wait3A_230 = tpu.memref_slice %arg3[%dma_wait3A_224, %mul3A_11, %mul3A_34] : memref<420x64x4096xf32, #tpu.memory_space<hbm>> -> memref<1x8x1024xf32, #tpu.memory_space<hbm>>
    %dma_wait3A_231 = tpu.memref_squeeze %dma_wait3A_230 : memref<1x8x1024xf32, #tpu.memory_space<hbm>> -> memref<8x1024xf32, #tpu.memory_space<hbm>>
    %dma_wait3A_232 = arith.constant 40 : i32
    %dma_wait3A_233 = arith.constant 0 : i32
    %dma_wait3A_234 = tpu.memref_slice %arg4[%dma_wait3A_232, %dma_wait3A_233] : memref<80x1024xf32, #tpu.memory_space<vmem>> -> memref<8x1024xf32, #tpu.memory_space<vmem>>
    tpu.wait_dma2 semaphore(%arg20 : memref<!tpu.dma_semaphore, #tpu.memory_space<semaphore_mem>>) src(%dma_wait3A_234 : memref<8x1024xf32, #tpu.memory_space<vmem>>) dst(%dma_wait3A_231 : memref<8x1024xf32, #tpu.memory_space<hbm>>)
    %dma_wait3A_235 = arith.constant 411 : i32
    %dma_wait3A_236 = arith.constant 40 : i32
    %dma_wait3A_237 = arith.constant 0 : i32
    %dma_wait3A_238 = tpu.memref_slice %arg4[%dma_wait3A_236, %dma_wait3A_237] : memref<80x1024xf32, #tpu.memory_space<vmem>> -> memref<8x1024xf32, #tpu.memory_space<vmem>>
    %dma_wait3A_239 = tpu.memref_slice %arg3[%dma_wait3A_235, %mul3A_11, %mul3A_34] : memref<420x64x4096xf32, #tpu.memory_space<hbm>> -> memref<1x8x1024xf32, #tpu.memory_space<hbm>>
    %dma_wait3A_240 = tpu.memref_squeeze %dma_wait3A_239 : memref<1x8x1024xf32, #tpu.memory_space<hbm>> -> memref<8x1024xf32, #tpu.memory_space<hbm>>
    %dma_wait3A_241 = tpu.memref_slice %arg3[%dma_wait3A_235, %mul3A_11, %mul3A_34] : memref<420x64x4096xf32, #tpu.memory_space<hbm>> -> memref<1x8x1024xf32, #tpu.memory_space<hbm>>
    %dma_wait3A_242 = tpu.memref_squeeze %dma_wait3A_241 : memref<1x8x1024xf32, #tpu.memory_space<hbm>> -> memref<8x1024xf32, #tpu.memory_space<hbm>>
    %dma_wait3A_243 = arith.constant 40 : i32
    %dma_wait3A_244 = arith.constant 0 : i32
    %dma_wait3A_245 = tpu.memref_slice %arg4[%dma_wait3A_243, %dma_wait3A_244] : memref<80x1024xf32, #tpu.memory_space<vmem>> -> memref<8x1024xf32, #tpu.memory_space<vmem>>
    tpu.wait_dma2 semaphore(%arg20 : memref<!tpu.dma_semaphore, #tpu.memory_space<semaphore_mem>>) src(%dma_wait3A_245 : memref<8x1024xf32, #tpu.memory_space<vmem>>) dst(%dma_wait3A_242 : memref<8x1024xf32, #tpu.memory_space<hbm>>)
    %dma_wait3A_246 = arith.constant 412 : i32
    %dma_wait3A_247 = arith.constant 48 : i32
    %dma_wait3A_248 = arith.constant 0 : i32
    %dma_wait3A_249 = tpu.memref_slice %arg4[%dma_wait3A_247, %dma_wait3A_248] : memref<80x1024xf32, #tpu.memory_space<vmem>> -> memref<8x1024xf32, #tpu.memory_space<vmem>>
    %dma_wait3A_250 = tpu.memref_slice %arg3[%dma_wait3A_246, %mul3A_11, %mul3A_34] : memref<420x64x4096xf32, #tpu.memory_space<hbm>> -> memref<1x8x1024xf32, #tpu.memory_space<hbm>>
    %dma_wait3A_251 = tpu.memref_squeeze %dma_wait3A_250 : memref<1x8x1024xf32, #tpu.memory_space<hbm>> -> memref<8x1024xf32, #tpu.memory_space<hbm>>
    %dma_wait3A_252 = tpu.memref_slice %arg3[%dma_wait3A_246, %mul3A_11, %mul3A_34] : memref<420x64x4096xf32, #tpu.memory_space<hbm>> -> memref<1x8x1024xf32, #tpu.memory_space<hbm>>
    %dma_wait3A_253 = tpu.memref_squeeze %dma_wait3A_252 : memref<1x8x1024xf32, #tpu.memory_space<hbm>> -> memref<8x1024xf32, #tpu.memory_space<hbm>>
    %dma_wait3A_254 = arith.constant 48 : i32
    %dma_wait3A_255 = arith.constant 0 : i32
    %dma_wait3A_256 = tpu.memref_slice %arg4[%dma_wait3A_254, %dma_wait3A_255] : memref<80x1024xf32, #tpu.memory_space<vmem>> -> memref<8x1024xf32, #tpu.memory_space<vmem>>
    tpu.wait_dma2 semaphore(%arg21 : memref<!tpu.dma_semaphore, #tpu.memory_space<semaphore_mem>>) src(%dma_wait3A_256 : memref<8x1024xf32, #tpu.memory_space<vmem>>) dst(%dma_wait3A_253 : memref<8x1024xf32, #tpu.memory_space<hbm>>)
    %dma_wait3A_257 = arith.constant 413 : i32
    %dma_wait3A_258 = arith.constant 48 : i32
    %dma_wait3A_259 = arith.constant 0 : i32
    %dma_wait3A_260 = tpu.memref_slice %arg4[%dma_wait3A_258, %dma_wait3A_259] : memref<80x1024xf32, #tpu.memory_space<vmem>> -> memref<8x1024xf32, #tpu.memory_space<vmem>>
    %dma_wait3A_261 = tpu.memref_slice %arg3[%dma_wait3A_257, %mul3A_11, %mul3A_34] : memref<420x64x4096xf32, #tpu.memory_space<hbm>> -> memref<1x8x1024xf32, #tpu.memory_space<hbm>>
    %dma_wait3A_262 = tpu.memref_squeeze %dma_wait3A_261 : memref<1x8x1024xf32, #tpu.memory_space<hbm>> -> memref<8x1024xf32, #tpu.memory_space<hbm>>
    %dma_wait3A_263 = tpu.memref_slice %arg3[%dma_wait3A_257, %mul3A_11, %mul3A_34] : memref<420x64x4096xf32, #tpu.memory_space<hbm>> -> memref<1x8x1024xf32, #tpu.memory_space<hbm>>
    %dma_wait3A_264 = tpu.memref_squeeze %dma_wait3A_263 : memref<1x8x1024xf32, #tpu.memory_space<hbm>> -> memref<8x1024xf32, #tpu.memory_space<hbm>>
    %dma_wait3A_265 = arith.constant 48 : i32
    %dma_wait3A_266 = arith.constant 0 : i32
    %dma_wait3A_267 = tpu.memref_slice %arg4[%dma_wait3A_265, %dma_wait3A_266] : memref<80x1024xf32, #tpu.memory_space<vmem>> -> memref<8x1024xf32, #tpu.memory_space<vmem>>
    tpu.wait_dma2 semaphore(%arg21 : memref<!tpu.dma_semaphore, #tpu.memory_space<semaphore_mem>>) src(%dma_wait3A_267 : memref<8x1024xf32, #tpu.memory_space<vmem>>) dst(%dma_wait3A_264 : memref<8x1024xf32, #tpu.memory_space<hbm>>)
    %dma_wait3A_268 = arith.constant 414 : i32
    %dma_wait3A_269 = arith.constant 56 : i32
    %dma_wait3A_270 = arith.constant 0 : i32
    %dma_wait3A_271 = tpu.memref_slice %arg4[%dma_wait3A_269, %dma_wait3A_270] : memref<80x1024xf32, #tpu.memory_space<vmem>> -> memref<8x1024xf32, #tpu.memory_space<vmem>>
    %dma_wait3A_272 = tpu.memref_slice %arg3[%dma_wait3A_268, %mul3A_11, %mul3A_34] : memref<420x64x4096xf32, #tpu.memory_space<hbm>> -> memref<1x8x1024xf32, #tpu.memory_space<hbm>>
    %dma_wait3A_273 = tpu.memref_squeeze %dma_wait3A_272 : memref<1x8x1024xf32, #tpu.memory_space<hbm>> -> memref<8x1024xf32, #tpu.memory_space<hbm>>
    %dma_wait3A_274 = tpu.memref_slice %arg3[%dma_wait3A_268, %mul3A_11, %mul3A_34] : memref<420x64x4096xf32, #tpu.memory_space<hbm>> -> memref<1x8x1024xf32, #tpu.memory_space<hbm>>
    %dma_wait3A_275 = tpu.memref_squeeze %dma_wait3A_274 : memref<1x8x1024xf32, #tpu.memory_space<hbm>> -> memref<8x1024xf32, #tpu.memory_space<hbm>>
    %dma_wait3A_276 = arith.constant 56 : i32
    %dma_wait3A_277 = arith.constant 0 : i32
    %dma_wait3A_278 = tpu.memref_slice %arg4[%dma_wait3A_276, %dma_wait3A_277] : memref<80x1024xf32, #tpu.memory_space<vmem>> -> memref<8x1024xf32, #tpu.memory_space<vmem>>
    tpu.wait_dma2 semaphore(%arg22 : memref<!tpu.dma_semaphore, #tpu.memory_space<semaphore_mem>>) src(%dma_wait3A_278 : memref<8x1024xf32, #tpu.memory_space<vmem>>) dst(%dma_wait3A_275 : memref<8x1024xf32, #tpu.memory_space<hbm>>)
    %dma_wait3A_279 = arith.constant 415 : i32
    %dma_wait3A_280 = arith.constant 56 : i32
    %dma_wait3A_281 = arith.constant 0 : i32
    %dma_wait3A_282 = tpu.memref_slice %arg4[%dma_wait3A_280, %dma_wait3A_281] : memref<80x1024xf32, #tpu.memory_space<vmem>> -> memref<8x1024xf32, #tpu.memory_space<vmem>>
    %dma_wait3A_283 = tpu.memref_slice %arg3[%dma_wait3A_279, %mul3A_11, %mul3A_34] : memref<420x64x4096xf32, #tpu.memory_space<hbm>> -> memref<1x8x1024xf32, #tpu.memory_space<hbm>>
    %dma_wait3A_284 = tpu.memref_squeeze %dma_wait3A_283 : memref<1x8x1024xf32, #tpu.memory_space<hbm>> -> memref<8x1024xf32, #tpu.memory_space<hbm>>
    %dma_wait3A_285 = tpu.memref_slice %arg3[%dma_wait3A_279, %mul3A_11, %mul3A_34] : memref<420x64x4096xf32, #tpu.memory_space<hbm>> -> memref<1x8x1024xf32, #tpu.memory_space<hbm>>
    %dma_wait3A_286 = tpu.memref_squeeze %dma_wait3A_285 : memref<1x8x1024xf32, #tpu.memory_space<hbm>> -> memref<8x1024xf32, #tpu.memory_space<hbm>>
    %dma_wait3A_287 = arith.constant 56 : i32
    %dma_wait3A_288 = arith.constant 0 : i32
    %dma_wait3A_289 = tpu.memref_slice %arg4[%dma_wait3A_287, %dma_wait3A_288] : memref<80x1024xf32, #tpu.memory_space<vmem>> -> memref<8x1024xf32, #tpu.memory_space<vmem>>
    tpu.wait_dma2 semaphore(%arg22 : memref<!tpu.dma_semaphore, #tpu.memory_space<semaphore_mem>>) src(%dma_wait3A_289 : memref<8x1024xf32, #tpu.memory_space<vmem>>) dst(%dma_wait3A_286 : memref<8x1024xf32, #tpu.memory_space<hbm>>)
    %dma_wait3A_290 = arith.constant 416 : i32
    %dma_wait3A_291 = arith.constant 64 : i32
    %dma_wait3A_292 = arith.constant 0 : i32
    %dma_wait3A_293 = tpu.memref_slice %arg4[%dma_wait3A_291, %dma_wait3A_292] : memref<80x1024xf32, #tpu.memory_space<vmem>> -> memref<8x1024xf32, #tpu.memory_space<vmem>>
    %dma_wait3A_294 = tpu.memref_slice %arg3[%dma_wait3A_290, %mul3A_11, %mul3A_34] : memref<420x64x4096xf32, #tpu.memory_space<hbm>> -> memref<1x8x1024xf32, #tpu.memory_space<hbm>>
    %dma_wait3A_295 = tpu.memref_squeeze %dma_wait3A_294 : memref<1x8x1024xf32, #tpu.memory_space<hbm>> -> memref<8x1024xf32, #tpu.memory_space<hbm>>
    %dma_wait3A_296 = tpu.memref_slice %arg3[%dma_wait3A_290, %mul3A_11, %mul3A_34] : memref<420x64x4096xf32, #tpu.memory_space<hbm>> -> memref<1x8x1024xf32, #tpu.memory_space<hbm>>
    %dma_wait3A_297 = tpu.memref_squeeze %dma_wait3A_296 : memref<1x8x1024xf32, #tpu.memory_space<hbm>> -> memref<8x1024xf32, #tpu.memory_space<hbm>>
    %dma_wait3A_298 = arith.constant 64 : i32
    %dma_wait3A_299 = arith.constant 0 : i32
    %dma_wait3A_300 = tpu.memref_slice %arg4[%dma_wait3A_298, %dma_wait3A_299] : memref<80x1024xf32, #tpu.memory_space<vmem>> -> memref<8x1024xf32, #tpu.memory_space<vmem>>
    tpu.wait_dma2 semaphore(%arg23 : memref<!tpu.dma_semaphore, #tpu.memory_space<semaphore_mem>>) src(%dma_wait3A_300 : memref<8x1024xf32, #tpu.memory_space<vmem>>) dst(%dma_wait3A_297 : memref<8x1024xf32, #tpu.memory_space<hbm>>)
    %dma_wait3A_301 = arith.constant 417 : i32
    %dma_wait3A_302 = arith.constant 64 : i32
    %dma_wait3A_303 = arith.constant 0 : i32
    %dma_wait3A_304 = tpu.memref_slice %arg4[%dma_wait3A_302, %dma_wait3A_303] : memref<80x1024xf32, #tpu.memory_space<vmem>> -> memref<8x1024xf32, #tpu.memory_space<vmem>>
    %dma_wait3A_305 = tpu.memref_slice %arg3[%dma_wait3A_301, %mul3A_11, %mul3A_34] : memref<420x64x4096xf32, #tpu.memory_space<hbm>> -> memref<1x8x1024xf32, #tpu.memory_space<hbm>>
    %dma_wait3A_306 = tpu.memref_squeeze %dma_wait3A_305 : memref<1x8x1024xf32, #tpu.memory_space<hbm>> -> memref<8x1024xf32, #tpu.memory_space<hbm>>
    %dma_wait3A_307 = tpu.memref_slice %arg3[%dma_wait3A_301, %mul3A_11, %mul3A_34] : memref<420x64x4096xf32, #tpu.memory_space<hbm>> -> memref<1x8x1024xf32, #tpu.memory_space<hbm>>
    %dma_wait3A_308 = tpu.memref_squeeze %dma_wait3A_307 : memref<1x8x1024xf32, #tpu.memory_space<hbm>> -> memref<8x1024xf32, #tpu.memory_space<hbm>>
    %dma_wait3A_309 = arith.constant 64 : i32
    %dma_wait3A_310 = arith.constant 0 : i32
    %dma_wait3A_311 = tpu.memref_slice %arg4[%dma_wait3A_309, %dma_wait3A_310] : memref<80x1024xf32, #tpu.memory_space<vmem>> -> memref<8x1024xf32, #tpu.memory_space<vmem>>
    tpu.wait_dma2 semaphore(%arg23 : memref<!tpu.dma_semaphore, #tpu.memory_space<semaphore_mem>>) src(%dma_wait3A_311 : memref<8x1024xf32, #tpu.memory_space<vmem>>) dst(%dma_wait3A_308 : memref<8x1024xf32, #tpu.memory_space<hbm>>)
    %dma_wait3A_312 = arith.constant 418 : i32
    %dma_wait3A_313 = arith.constant 72 : i32
    %dma_wait3A_314 = arith.constant 0 : i32
    %dma_wait3A_315 = tpu.memref_slice %arg4[%dma_wait3A_313, %dma_wait3A_314] : memref<80x1024xf32, #tpu.memory_space<vmem>> -> memref<8x1024xf32, #tpu.memory_space<vmem>>
    %dma_wait3A_316 = tpu.memref_slice %arg3[%dma_wait3A_312, %mul3A_11, %mul3A_34] : memref<420x64x4096xf32, #tpu.memory_space<hbm>> -> memref<1x8x1024xf32, #tpu.memory_space<hbm>>
    %dma_wait3A_317 = tpu.memref_squeeze %dma_wait3A_316 : memref<1x8x1024xf32, #tpu.memory_space<hbm>> -> memref<8x1024xf32, #tpu.memory_space<hbm>>
    %dma_wait3A_318 = tpu.memref_slice %arg3[%dma_wait3A_312, %mul3A_11, %mul3A_34] : memref<420x64x4096xf32, #tpu.memory_space<hbm>> -> memref<1x8x1024xf32, #tpu.memory_space<hbm>>
    %dma_wait3A_319 = tpu.memref_squeeze %dma_wait3A_318 : memref<1x8x1024xf32, #tpu.memory_space<hbm>> -> memref<8x1024xf32, #tpu.memory_space<hbm>>
    %dma_wait3A_320 = arith.constant 72 : i32
    %dma_wait3A_321 = arith.constant 0 : i32
    %dma_wait3A_322 = tpu.memref_slice %arg4[%dma_wait3A_320, %dma_wait3A_321] : memref<80x1024xf32, #tpu.memory_space<vmem>> -> memref<8x1024xf32, #tpu.memory_space<vmem>>
    tpu.wait_dma2 semaphore(%arg24 : memref<!tpu.dma_semaphore, #tpu.memory_space<semaphore_mem>>) src(%dma_wait3A_322 : memref<8x1024xf32, #tpu.memory_space<vmem>>) dst(%dma_wait3A_319 : memref<8x1024xf32, #tpu.memory_space<hbm>>)
    %dma_wait3A_323 = arith.constant 419 : i32
    %dma_wait3A_324 = arith.constant 72 : i32
    %dma_wait3A_325 = arith.constant 0 : i32
    %dma_wait3A_326 = tpu.memref_slice %arg4[%dma_wait3A_324, %dma_wait3A_325] : memref<80x1024xf32, #tpu.memory_space<vmem>> -> memref<8x1024xf32, #tpu.memory_space<vmem>>
    %dma_wait3A_327 = tpu.memref_slice %arg3[%dma_wait3A_323, %mul3A_11, %mul3A_34] : memref<420x64x4096xf32, #tpu.memory_space<hbm>> -> memref<1x8x1024xf32, #tpu.memory_space<hbm>>
    %dma_wait3A_328 = tpu.memref_squeeze %dma_wait3A_327 : memref<1x8x1024xf32, #tpu.memory_space<hbm>> -> memref<8x1024xf32, #tpu.memory_space<hbm>>
    %dma_wait3A_329 = tpu.memref_slice %arg3[%dma_wait3A_323, %mul3A_11, %mul3A_34] : memref<420x64x4096xf32, #tpu.memory_space<hbm>> -> memref<1x8x1024xf32, #tpu.memory_space<hbm>>
    %dma_wait3A_330 = tpu.memref_squeeze %dma_wait3A_329 : memref<1x8x1024xf32, #tpu.memory_space<hbm>> -> memref<8x1024xf32, #tpu.memory_space<hbm>>
    %dma_wait3A_331 = arith.constant 72 : i32
    %dma_wait3A_332 = arith.constant 0 : i32
    %dma_wait3A_333 = tpu.memref_slice %arg4[%dma_wait3A_331, %dma_wait3A_332] : memref<80x1024xf32, #tpu.memory_space<vmem>> -> memref<8x1024xf32, #tpu.memory_space<vmem>>
    tpu.wait_dma2 semaphore(%arg24 : memref<!tpu.dma_semaphore, #tpu.memory_space<semaphore_mem>>) src(%dma_wait3A_333 : memref<8x1024xf32, #tpu.memory_space<vmem>>) dst(%dma_wait3A_330 : memref<8x1024xf32, #tpu.memory_space<hbm>>)
    return
  }
}

</mosaic_0001>

<sc_bundles>
// kernel: kernel.3.cloned.1.call-start
scs
__scs_entry_jumppad:
0x0: {  	(pc) =	sbr.rel $0x88, $3  }
0x1: {  	(tag) =	ssettag $0x0;
	lr =	simm.s32 $0x1  }
0x2: {  	[smem:$0x3FA0] =	sst lr;
	_ =	strace $0xD0000000  }
0x3: {  	_ = 	snop  }
0x4: {  	_ = 	snop  }
0x5: {  	_ = 	snop  }
0x6: {  	_ = 	snop  }
0x7: {  	_ = 	snop  }
__scs_overlays_trampoline_lowered:
0x8: {  	[smem:$0x3FAF] =	sst s0  }
0x9: {  	[smem:$0x3FB0] =	sst s1  }
0xa: {  	[smem:$0x3FB1] =	sst s2  }
0xb: {  	[smem:$0x3FB2] =	sst s3  }
0xc: {  	[smem:$0x3FB3] =	sst s4  }
0xd: {  	[smem:$0x3FB4] =	sst s5  }
0xe: {  	[smem:$0x3FB5] =	sst s6  }
0xf: {  	[smem:$0x3FB6] =	sst s7  }
0x10: {  	[smem:$0x3FB7] =	sst s8  }
0x11: {  	[smem:$0x3FB8] =	sst s9;
	s0 =	simm.s32 @!p0 $0x0  }
0x12: {  	s1 =	sld [smem:$0x3F9E];
	s0 =	simm.s32 @p0 $0x1  }
0x13: {  	[smem:$0x3FB9] =	sst s0;
	s0 =	simm.s32 @!p1 $0x0  }
0x14: {  	s2 =	sld [smem:$0x3F9D];
	s0 =	simm.s32 @p1 $0x1  }
0x15: {  	[smem:$0x3FBA] =	sst s0;
	s0 =	simm.s32 @!p2 $0x0  }
0x16: {  	s3 =	sld [smem:$0x3FDB];
	s0 =	simm.s32 @p2 $0x1  }
0x17: {  	s4 =	simm.s32 $0x1BF5;
	[smem:$0x3FBC] =	sst s0  }
0x18: {  	s0 =	sld [smem:$0x3F9F];
	_ =	swait.ge [sflag:s4], $0x0  }
0x19: {  	s7 =	sld [smem:$0x3FA0]  }
0x1a: {  	s8 =	sadd.s32 $0xFFFFE003, lr  }
0x1b: {  	s9 =	sadd.s32 $0xFFFFFEF7, lr;
	s5 =	simm.s32 $0xFFFFFFFF;
	p2 =	slt.u32 s8, $0xFFFFF086  }
0x1c: {  	p1 =	slt.u32 s9, $0xF7A;
	s5 =	simm.s32 @!p2 $0x0  }
0x1d: {  	s5 =	simm.s32 @p1 $0x1;
	p0 =	seq.s32 s7, s2  }
0x1e: {  	s7 =	smul.u32 @!p0 $0xF7A, s2;
	p2 =	seq.s32 @!p0 s5, $0x0  }
0x1f: {  	s9 =	smul.u32 $0xF7A, s1;
	s8 =	simm.s32 @!p0 $0x1BF5;
	p2 =	por !p2, p0  }
0x20: {  	[sflag:s8] =	ssyncset.s32 @!p0 $0xFFFFF086;
	s6 =	sadd.s32 @!p0 s3, s7;
	s7 =	simm.s32 @!p0 $0x108  }
0x21: {  	s3 =	sadd.s32 s3, s9;
	s6 =	sadd.s32 @!p0 $0x88, s6;
	s7 =	simm.s32 @p2 $0x1082  }
0x22: {  	[simem:s7], [sflag:s8] =	dma.local @!p0 [hbm:s6], $0xF7A  }
0x23: {  	s9 =	sor.u32 $0xD0000000, s2;
	s6 =	simm.s32 $0x108;
	_ =	swait.ge @!p0 [sflag:s8], $0x0  }
0x24: {  	s3 =	sadd.s32 $0x88, s3;
	s6 =	simm.s32 @!p1 $0x1082;
	[sflag:s4] =	ssyncset.s32 $0xFFFFF086  }
0x25: {  	[simem:s6], [sflag:s4] =	dma.local [hbm:s3], $0xF7A  }
0x26: {  	[smem:$0x3FA0] =	sst s1;
	(tag) =	ssettag s2;
	_ =	strace s9  }
0x27: {  	s1 =	sld [smem:$0x3FB0]  }
0x28: {  	s2 =	sld [smem:$0x3FB1]  }
0x29: {  	s4 =	sld [smem:$0x3FB3]  }
0x2a: {  	p0 =	seq.s32 s5, $0x0;
	s5 =	sld [smem:$0x3FB4]  }
0x2b: {  	s6 =	sld [smem:$0x3FB5]  }
0x2c: {  	s7 =	sld [smem:$0x3FB6]  }
0x2d: {  	s3 =	simm.s32 $0x108;
	s8 =	sld [smem:$0x3FB7]  }
0x2e: {  	s3 =	simm.s32 @!p0 $0x1082;
	s9 =	sld [smem:$0x3FB8]  }
0x2f: {  	lr =	sadd.s32 s0, s3;
	s0 =	sld [smem:$0x3FAF]  }
0x30: {  	s3 =	sld [smem:$0x3FB2]  }
0x31: {  	[smem:$0x3FBB] =	sst s10  }
0x32: {  	s10 =	sld [smem:$0x3FB9];
	_ =	sdelay $0x3  }
0x33: {  	p0 =	seq.s32 s10, $0x1;
	s10 =	sld [smem:$0x3FBB];
	_ =	sdelay $0x3  }
0x34: {  	[smem:$0x3FBB] =	sst s10  }
0x35: {  	s10 =	sld [smem:$0x3FBA];
	_ =	sdelay $0x3  }
0x36: {  	p1 =	seq.s32 s10, $0x1;
	s10 =	sld [smem:$0x3FBB];
	_ =	sdelay $0x3  }
0x37: {  	[smem:$0x3FBB] =	sst s10  }
0x38: {  	s10 =	sld [smem:$0x3FBC]  }
0x39: {  	_ = 	snop;
	(pc) =	sbr.ind lr, $3  }
0x3a: {  	_ = 	snop  }
0x3b: {  	_ = 	snop  }
0x3c: {  	p2 =	seq.s32 s10, $0x1;
	s10 =	sld [smem:$0x3FBB]  }
0x3d: {  	_ =	shalt  }
0x3e: {  	_ =	shalt  }
0x3f: {  	_ =	shalt  }
0x40: {  	_ =	shalt  }
0x41: {  	_ =	shalt  }
0x42: {  	_ =	shalt  }
0x43: {  	_ =	shalt  }
0x44: {  	_ =	shalt  }
0x45: {  	_ =	shalt  }
0x46: {  	_ =	shalt  }
0x47: {  	_ =	shalt  }
0x48: {  	_ =	shalt  }
0x49: {  	_ =	shalt  }
0x4a: {  	_ =	shalt  }
0x4b: {  	_ =	shalt  }
0x4c: {  	_ =	shalt  }
0x4d: {  	_ =	shalt  }
0x4e: {  	_ =	shalt  }
0x4f: {  	_ =	shalt  }
0x50: {  	_ =	shalt  }
0x51: {  	_ =	shalt  }
0x52: {  	_ =	shalt  }
0x53: {  	_ =	shalt  }
0x54: {  	_ =	shalt  }
0x55: {  	_ =	shalt  }
0x56: {  	_ =	shalt  }
0x57: {  	_ =	shalt  }
0x58: {  	_ =	shalt  }
0x59: {  	_ =	shalt  }
0x5a: {  	_ =	shalt  }
0x5b: {  	_ =	shalt  }
0x5c: {  	_ =	shalt  }
0x5d: {  	_ =	shalt  }
0x5e: {  	_ =	shalt  }
0x5f: {  	_ =	shalt  }
0x60: {  	_ =	shalt  }
0x61: {  	_ =	shalt  }
0x62: {  	_ =	shalt  }
0x63: {  	_ =	shalt  }
0x64: {  	_ =	shalt  }
0x65: {  	_ =	shalt  }
0x66: {  	_ =	shalt  }
0x67: {  	_ =	shalt  }
0x68: {  	_ =	shalt  }
0x69: {  	_ =	shalt  }
0x6a: {  	_ =	shalt  }
0x6b: {  	_ =	shalt  }
0x6c: {  	_ =	shalt  }
0x6d: {  	_ =	shalt  }
0x6e: {  	_ =	shalt  }
0x6f: {  	_ =	shalt  }
0x70: {  	_ =	shalt  }
0x71: {  	_ =	shalt  }
0x72: {  	_ =	shalt  }
0x73: {  	_ =	shalt  }
0x74: {  	_ =	shalt  }
0x75: {  	_ =	shalt  }
0x76: {  	_ =	shalt  }
0x77: {  	_ =	shalt  }
0x78: {  	_ =	shalt  }
0x79: {  	_ =	shalt  }
0x7a: {  	_ =	shalt  }
0x7b: {  	_ =	shalt  }
0x7c: {  	_ =	shalt  }
0x7d: {  	_ =	shalt  }
0x7e: {  	_ =	shalt  }
0x7f: {  	_ =	shalt  }
0x80: {  	_ =	shalt  }
0x81: {  	_ =	shalt  }
0x82: {  	_ =	shalt  }
0x83: {  	_ =	shalt  }
0x84: {  	_ =	shalt  }
0x85: {  	_ =	shalt  }
0x86: {  	_ =	shalt  }
0x87: {  	_ =	shalt  }
.Lfunc_end0:
.L_simem_size_0:
called_computation_lowered:
.L_overlay_start_0:
0x88: {  	s2 =	sld [smem:$0x3FD9]  }
0x89: {  	s3 =	sld [smem:$0x3FFE];
	_ =	sdelay $0x1  }
0x8a: {  	s1 =	srdreg.scid  }
0x8b: {  	s0 =	sand.u32 $0x1, s1  }
0x8c: {  	s18 =	sshll.u32 s0, $0xA;
	s2 =	sadd.s32 s3, s2  }
0x8d: {  	s2 =	sadd.s32 s2, s18  }
0x8e: {  	[smem:$0x3FC7] =	sst s2  }
0x8f: {  	_ = 	snop  }
0x90: {  	s2 =	sld [smem:$0x3FC9]  }
0x91: {  	s19 =	sld [smem:$0x3FD0];
	(tm) =	ssettm $0x1  }
0x92: {  	s4 =	sld [smem:$0x3FFB];
	_ =	sdelay $0x3  }
0x93: {  	_ =	strace s4  }
0x94: {  	s4 =	sld [smem:$0x3FFC];
	_ =	sdelay $0x3  }
0x95: {  	_ =	strace s4  }
0x96: {  	s4 =	sld [smem:$0x3FFD];
	_ =	sdelay $0x3  }
0x97: {  	_ =	strace s4  }
0x98: {  	_ =	strace $0x8FFFFFFF  }
0x99: {  	s20 =	sld [smem:$0x3FDB];
	_ =	sdelay $0x1  }
0x9a: {  	s5 =	simm.s32 $_scs_section_size  }
0x9b: {  	s6 =	simm.s32 $_size__tile_overlayer_lowered;
	s7 =	simm.s32 $_tile_overlayer_lowered  }
0x9c: {  	s23 =	simm.s32 $0x1BFF;
	s22 =	sshll.u32 s7, $0x1;
	s4 =	sadd.s32 s5, s20  }
0x9d: {  	s8 =	simm.s32 $0x0;
	s21 =	sshll.u32 s6, $0x1;
	s6 =	sadd.s32 s22, s4  }
0x9e: {  	[timem:s8], [sflag:s23] =	dma.local [hbm:s6], s21  }
0x9f: {  	_ =	swait.ge [sflag:s23], s21  }
0xa0: {  	s5 =	ssub.s32 $0x0, s21;
	[sflag:s23] =	ssyncset.done $0x0  }
0xa1: {  	[sflag:s23] =	ssyncadd.s32 s5;
	_ =	sdelay $0x1  }
0xa2: {  	s24 =	simm.s32 $0x1B8B  }
0xa3: {  	_ =	swait.ge [sflag:s24], $0x1  }
0xa4: {  	[sflag:s24] =	ssyncset.done $0x0  }
0xa5: {  	s25 =	simm.s32 $0x1B8E;
	[sflag:s24] =	ssyncadd.s32 $0xFFFFFFFF  }
0xa6: {  	s26 =	simm.s32 $execute0_lowered;
	[smem:$0x3FD2] =	sst s25  }
0xa7: {  	s5 =	sshll.u32 s26, $0x1;
	_ =	strace $0x80000046;
	[dreg:$0x1] =	wrdreg $0xFFFFFFFF  }
0xa8: {  	s28 =	simm.s32 $_size_execute0_lowered;
	s4 =	sadd.s32 s4, s5;
	[dreg:$0x0] =	wrdreg $0x0  }
0xa9: {  	s5 =	sshll.u32 s28, $0x1;
	[dreg:$0x2] =	wrdreg s4  }
0xaa: {  	[dreg:$0x3] =	wrdreg s5  }
0xab: {  	[dreg:$0x4] =	wrdreg $0xC0  }
0xac: {  	_ =	task [dreg:s8], $0x5FFFF  }
0xad: {  	[dreg:$0x1] =	wrdreg $0xFFFFFFFF  }
0xae: {  	[dreg:$0x0] =	wrdreg $0x60  }
0xaf: {  	[dreg:$0x2] =	wrdreg s2  }
0xb0: {  	[dreg:$0x3] =	wrdreg s19  }
0xb1: {  	[dreg:$0x4] =	wrdreg $0x9  }
0xb2: {  	_ =	task.clear_ibuf [dreg:s8], $0x5FFFF;
	_ =	strace $0x90000046  }
0xb3: {  	s29 =	simm.s32 $0x9;
	_ =	strace $0x80000048  }
0xb4: {  	_ =	swait.ge [sflag:s29], $0x1  }
0xb5: {  	[sflag:s29] =	ssyncadd.s32 $0xFFFFFFFF  }
0xb6: {  	_ =	strace $0x90000048  }
0xb7: {  	_ =	sfence  }
0xb8: {  	s30 =	sld [smem:$0x0];
	_ =	sdelay $0x2  }
0xb9: {  	s31 =	sshll.u32 s1, $0xD;
	s1 =	sshrl.u32 s1, $0x2  }
0xba: {  	s3 =	sand.u32 $0x4000, s31;
	s1 =	sadd.s32 s1, s30  }
0xbb: {  	s0 =	sor.u32 s3, s0;
	s1 =	sshll.u32 s1, $0x11  }
0xbc: {  	s0 =	sor.u32 s1, s0  }
0xbd: {  	s0 =	sadd.s32 $0x8F2B, s0  }
0xbe: {  	[sflag:s0] =	ssyncadd.remote.s32 $0x1  }
0xbf: {  	_ =	sfence.sel $0xFFFF  }
0xc0: {  	[dreg:$0x0] =	wrdreg $0xFFFFFFFF;
	(pc) =	sbr.abs _section_cstart, $3  }
0xc1: {  	[dreg:$0x1] =	wrdreg $0xFFFFFFFF  }
0xc2: {  	_ =	task.clear_ibuf [dreg:s8], $0x2FFFF;
	_ =	strace $0x9FFFFFFF  }
0xc3: {  	(tm) =	ssettm $0x7FFFFFFF  }
tec
execute0_lowered:
.L_overlay_start_1:
0x0: {  	(tag) =	ssettag $0x1  }
0x1: {  	s8 =	rddreg [dreg:$0x0]  }
0x2: {  	s1 =	rddreg [dreg:$0x1]  }
0x3: {  	s3 =	simm.s32 $0x0;
	s0 =	srdreg.scid;
	s6 =	stileid.u32  }
0x4: {  	s28 =	simm.s32 $0x0;
	[smem:$0x7FF] =	sst s3;
	s0 =	sand.u32 $0x1, s0  }
0x5: {  	s2 =	sshll.u32 s6, $0x1;
	s5 =	sshll.u32 s6, $0xB;
	s6 =	sand.u32 $0x3, s6  }
0x6: {  	_ =	strace $0x80000047;
	s4 =	ssub.s32 $0x2, s0;
	s2 =	sand.u32 $0x6, s2  }
0x7: {  	s5 =	sand.u32 $0x6000, s5;
	s6 =	sshll.u32 s6, $0x10;
	s2 =	sor.u32 s0, s2  }
0x8: {  	s0 =	sshll.u32 s0, $0xF;
	s7 =	sshrl.u32 s4, $0x1;
	s2 =	sshll.u32 s2, $0xF  }
0x9: {  	s0 =	sor.u32 s0, s6;
	s4 =	ssub.s32 s4, s7;
	s2 =	sor.u32 s5, s2  }
0xa: {  	s0 =	sor.u32 s5, s0;
	s4 =	smax.u32 s4, $0x1;
	s2 =	sshrl.u32 s2, $0x3  }
0xb: {  	s29 =	sor.u32 $0x500000, s0;
	s5 =	sor.u32 $0x4C0000, s0;
	[dreg:$0x4] =	wrdreg s4  }
0xc: {  	s4 =	sor.u32 $0x480000, s0;
	s7 =	sor.u32 $0x400000, s0;
	s11 =	sor.u32 $0x3C0000, s0  }
0xd: {  	s12 =	sor.u32 $0x380000, s0;
	s13 =	sor.u32 $0x340000, s0;
	s14 =	sor.u32 $0x280000, s0  }
0xe: {  	s15 =	sor.u32 $0x300000, s0;
	s16 =	sor.u32 $0x2C0000, s0;
	s18 =	sor.u32 $0x240000, s0  }
0xf: {  	s19 =	sor.u32 $0x200000, s0;
	s20 =	sor.u32 $0x1C0000, s0;
	s21 =	sor.u32 $0x180000, s0  }
0x10: {  	s22 =	sor.u32 $0x140000, s0;
	s23 =	sor.u32 $0x100000, s0;
	s6 =	sadd.s32 s8, s2  }
0x11: {  	s2 =	sshrl.u32 s29, $0x3;
	s30 =	sshrl.u32 s5, $0x3;
	s5 =	sor.u32 $0x440000, s0  }
0x12: {  	s9 =	sshrl.u32 s7, $0x3;
	s7 =	sshrl.u32 s11, $0x3;
	[dreg:$0xd] =	wrdreg s14  }
0x13: {  	s11 =	sshrl.u32 s16, $0x3;
	s16 =	sshrl.u32 s21, $0x3;
	[dreg:$0xa] =	wrdreg s7  }
0x14: {  	s24 =	sshrl.u32 s22, $0x3;
	s25 =	sshrl.u32 s23, $0x3;
	[dreg:$0x10] =	wrdreg s11  }
0x15: {  	s29 =	sor.u32 $0xC0000, s0;
	s2 =	sadd.s32 s2, s1;
	[dreg:$0x3] =	wrdreg s6  }
0x16: {  	s31 =	sadd.s32 s30, s1;
	s8 =	sshrl.u32 s5, $0x3;
	[dreg:$0x5] =	wrdreg s2  }
0x17: {  	s10 =	sadd.s32 s9, s1;
	s9 =	sshrl.u32 s13, $0x3;
	[dreg:$0x6] =	wrdreg s31  }
0x18: {  	s5 =	sshrl.u32 s14, $0x3;
	s26 =	sadd.s32 s25, s1;
	[dreg:$0x9] =	wrdreg s10  }
0x19: {  	s13 =	sshrl.u32 s19, $0x3;
	s30 =	sor.u32 $0x80000, s0;
	[dreg:$0x13] =	wrdreg s26  }
0x1a: {  	s21 =	sadd.s32 s11, s1;
	s25 =	sadd.s32 $0x8000, s6;
	[dreg:$0xc] =	wrdreg s9  }
0x1b: {  	s11 =	simm.s32 $0x4000;
	s2 =	sshrl.u32 s4, $0x3;
	[dreg:$0x1c] =	wrdreg s21  }
0x1c: {  	s10 =	sshrl.u32 s15, $0x3;
	s17 =	sadd.s32 s5, s1;
	[smem:$0x7F9] =	sst s25  }
0x1d: {  	s15 =	sshrl.u32 s20, $0x3;
	s19 =	sadd.s32 s9, s1;
	[dreg:$0xf] =	wrdreg s17  }
0x1e: {  	s31 =	sor.u32 $0x40000, s0;
	s4 =	sshrl.u32 s30, $0x3;
	[dreg:$0x1a] =	wrdreg s19  }
0x1f: {  	s0 =	sshrl.u32 s0, $0x3;
	s23 =	sadd.s32 s13, s1;
	[dreg:$0xe] =	wrdreg s10  }
0x20: {  	s26 =	sadd.s32 $0x10000, s6;
	s30 =	sadd.s32 $0x20000, s6;
	[dreg:$0x1e] =	wrdreg s23  }
0x21: {  	s9 =	simm.s32 $0xA000;
	s21 =	simm.s32 $0x6;
	[smem:$0x7FA] =	sst s26  }
0x22: {  	s25 =	simm.s32 $0xA;
	s2 =	sadd.s32 s2, s1;
	[smem:$0x7FC] =	sst s30  }
0x23: {  	s5 =	sshrl.u32 s31, $0x3;
	s0 =	sadd.s32 s0, s1;
	[dreg:$0x7] =	wrdreg s2  }
0x24: {  	s17 =	sadd.s32 s7, s1;
	s20 =	sadd.s32 s10, s1;
	[dreg:$0x17] =	wrdreg s0  }
0x25: {  	s31 =	sadd.s32 $0x28000, s6;
	s7 =	simm.s32 $0x6000;
	[dreg:$0x18] =	wrdreg s17  }
0x26: {  	s10 =	simm.s32 $0x1;
	s19 =	simm.s32 $0x12000;
	[dreg:$0x1b] =	wrdreg s20  }
0x27: {  	s23 =	simm.s32 $0x8;
	s2 =	sadd.s32 s8, s1;
	[smem:$0x7FD] =	sst s31  }
0x28: {  	s26 =	simm.s32 $0x10;
	s14 =	sadd.s32 s5, s1;
	[dreg:$0x8] =	wrdreg s2  }
0x29: {  	s8 =	sshrl.u32 s12, $0x3;
	s12 =	sshrl.u32 s18, $0x3;
	[dreg:$0x16] =	wrdreg s14  }
0x2a: {  	s5 =	smov.u32 s13;
	s13 =	simm.s32 $0x2;
	[dreg:$0xb] =	wrdreg s8  }
0x2b: {  	s17 =	simm.s32 $0x10000;
	s2 =	sadd.s32 s24, s1;
	[dreg:$0x11] =	wrdreg s12  }
0x2c: {  	s20 =	simm.s32 $0x5;
	s18 =	sadd.s32 s8, s1;
	[dreg:$0x12] =	wrdreg s2  }
0x2d: {  	s22 =	sadd.s32 s12, s1;
	s24 =	sadd.s32 s15, s1;
	[dreg:$0x19] =	wrdreg s18  }
0x2e: {  	s14 =	smov.u32 s16;
	s8 =	simm.s32 $0x8000;
	[dreg:$0x1d] =	wrdreg s22  }
0x2f: {  	s12 =	simm.s32 $0xC000;
	s2 =	sshrl.u32 s29, $0x3;
	[dreg:$0x1f] =	wrdreg s24  }
.Ltmp0:
0x30: {  	s29 =	sadd.s32 $0x18000, s6;
	s6 =	simm.s32 $0x2000;
	(pc) =	sbr.rel .LBB2_1-.Ltmp0, $4  }
0x31: {  	s18 =	simm.s32 $0x4;
	s2 =	sadd.s32 s2, s1;
	[smem:$0x7FB] =	sst s29  }
0x32: {  	s22 =	simm.s32 $0x7;
	s24 =	simm.s32 $0x9;
	[dreg:$0x14] =	wrdreg s2  }
0x33: {  	s2 =	sadd.s32 s4, s1;
	s4 =	smov.u32 s15;
	s1 =	sadd.s32 s16, s1  }
0x34: {  	s15 =	simm.s32 $0xE000;
	s16 =	simm.s32 $0x3;
	[dreg:$0x15] =	wrdreg s2  }
.LBB2_4:
0x35: {  	s0 =	simm.s32 $0xB  }
0x36: {  	_ =	swait.ge [sflag:s0], $0x2000  }
0x37: {  	[sflag:s0] =	ssyncset.done $0x0  }
0x38: {  	[sflag:s0] =	ssyncadd.s32 $0xFFFFE000  }
0x39: {  	_ =	swait.ge [sflag:s0], $0x2000  }
0x3a: {  	[sflag:s0] =	ssyncset.done $0x0  }
0x3b: {  	s2 =	simm.s32 $0xC;
	[sflag:s0] =	ssyncadd.s32 $0xFFFFE000  }
0x3c: {  	_ =	swait.ge [sflag:s2], $0x2000  }
0x3d: {  	[sflag:s2] =	ssyncset.done $0x0  }
0x3e: {  	[sflag:s2] =	ssyncadd.s32 $0xFFFFE000  }
0x3f: {  	_ =	swait.ge [sflag:s2], $0x2000  }
0x40: {  	[sflag:s2] =	ssyncset.done $0x0  }
0x41: {  	s29 =	simm.s32 $0xD;
	[sflag:s2] =	ssyncadd.s32 $0xFFFFE000  }
0x42: {  	_ =	swait.ge [sflag:s29], $0x2000  }
0x43: {  	[sflag:s29] =	ssyncset.done $0x0  }
0x44: {  	[sflag:s29] =	ssyncadd.s32 $0xFFFFE000  }
0x45: {  	_ =	swait.ge [sflag:s29], $0x2000  }
0x46: {  	[sflag:s29] =	ssyncset.done $0x0  }
0x47: {  	s30 =	simm.s32 $0xE;
	[sflag:s29] =	ssyncadd.s32 $0xFFFFE000  }
0x48: {  	_ =	swait.ge [sflag:s30], $0x2000  }
0x49: {  	[sflag:s30] =	ssyncset.done $0x0  }
0x4a: {  	[sflag:s30] =	ssyncadd.s32 $0xFFFFE000  }
0x4b: {  	_ =	swait.ge [sflag:s30], $0x2000  }
0x4c: {  	[sflag:s30] =	ssyncset.done $0x0  }
0x4d: {  	s31 =	simm.s32 $0xF;
	[sflag:s30] =	ssyncadd.s32 $0xFFFFE000  }
0x4e: {  	_ =	swait.ge [sflag:s31], $0x2000  }
0x4f: {  	[sflag:s31] =	ssyncset.done $0x0  }
0x50: {  	[sflag:s31] =	ssyncadd.s32 $0xFFFFE000  }
0x51: {  	_ =	swait.ge [sflag:s31], $0x2000  }
0x52: {  	[sflag:s31] =	ssyncset.done $0x0  }
0x53: {  	[sflag:s31] =	ssyncadd.s32 $0xFFFFE000  }
0x54: {  	_ =	swait.ge [sflag:s26], $0x2000  }
0x55: {  	[sflag:s26] =	ssyncset.done $0x0  }
0x56: {  	[sflag:s26] =	ssyncadd.s32 $0xFFFFE000  }
0x57: {  	_ =	swait.ge [sflag:s26], $0x2000  }
0x58: {  	[sflag:s26] =	ssyncset.done $0x0  }
0x59: {  	[sflag:s26] =	ssyncadd.s32 $0xFFFFE000  }
0x5a: {  	_ =	swait.ge [sflag:s26], $0x2000  }
0x5b: {  	[sflag:s26] =	ssyncset.done $0x0  }
0x5c: {  	s2 =	simm.s32 $0x11;
	[sflag:s26] =	ssyncadd.s32 $0xFFFFE000  }
0x5d: {  	_ =	swait.ge [sflag:s2], $0x2000  }
0x5e: {  	[sflag:s2] =	ssyncset.done $0x0  }
0x5f: {  	[sflag:s2] =	ssyncadd.s32 $0xFFFFE000  }
0x60: {  	_ =	swait.ge [sflag:s2], $0x2000  }
0x61: {  	[sflag:s2] =	ssyncset.done $0x0  }
0x62: {  	s29 =	simm.s32 $0x12;
	[sflag:s2] =	ssyncadd.s32 $0xFFFFE000  }
0x63: {  	_ =	swait.ge [sflag:s29], $0x2000  }
0x64: {  	[sflag:s29] =	ssyncset.done $0x0  }
0x65: {  	[sflag:s29] =	ssyncadd.s32 $0xFFFFE000  }
0x66: {  	_ =	swait.ge [sflag:s29], $0x2000  }
0x67: {  	[sflag:s29] =	ssyncset.done $0x0  }
0x68: {  	s30 =	simm.s32 $0x13;
	[sflag:s29] =	ssyncadd.s32 $0xFFFFE000  }
0x69: {  	_ =	swait.ge [sflag:s30], $0x2000  }
0x6a: {  	[sflag:s30] =	ssyncset.done $0x0  }
0x6b: {  	[sflag:s30] =	ssyncadd.s32 $0xFFFFE000  }
0x6c: {  	_ =	swait.ge [sflag:s30], $0x2000  }
0x6d: {  	[sflag:s30] =	ssyncset.done $0x0  }
0x6e: {  	s2 =	simm.s32 $0x14;
	[sflag:s30] =	ssyncadd.s32 $0xFFFFE000  }
0x6f: {  	_ =	swait.ge [sflag:s2], $0x2000  }
0x70: {  	[sflag:s2] =	ssyncset.done $0x0  }
0x71: {  	[sflag:s2] =	ssyncadd.s32 $0xFFFFE000  }
0x72: {  	_ =	swait.ge [sflag:s2], $0x2000  }
0x73: {  	s28 =	sld [smem:$0x7F8];
	_ =	sdelay $0x2  }
0x74: {  	s31 =	rddreg [dreg:$0x4];
	s28 =	sadd.s32 $0x1, s28  }
0x75: {  	p0 =	sne.s32 s28, s31  }
.Ltmp1:
0x76: {  	_ = 	snop;
	(pc) =	sbr.rel @!p0 .LBB2_5-.Ltmp1, $3  }
0x77: {  	_ =	sdelay $0x1  }
0x78: {  	[sflag:s2] =	ssyncset.done $0x0  }
0x79: {  	[sflag:s2] =	ssyncadd.s32 $0xFFFFE000  }
.LBB2_1:
0x7a: {  	[smem:$0x7F8] =	sst s28  }
0x7b: {  	s0 =	rddreg [dreg:$0x3]  }
0x7c: {  	s31 =	sld [smem:$0x7F9]  }
0x7d: {  	s2 =	sld [smem:$0x7FA]  }
0x7e: {  	[tilespmem:s3], [sflag:$0x1] =	stream.linear.gather [hbm4b:s0+s3], $0x2000, $0x38;
	[tilespmem:$0x14000] =	vst v63  }
0x7f: {  	s28 =	rddreg [dreg:$0xd]  }
0x80: {  	[tilespmem:s6], [sflag:$0x2] =	stream.linear.gather [hbm4b:s31+s3], $0x2000, $0x38;
	[tilespmem:$0x14000] =	vst v63  }
0x81: {  	s31 =	sld [smem:$0x7FB]  }
0x82: {  	[tilespmem:s11], [sflag:$0x3] =	stream.linear.gather [hbm4b:s2+s3], $0x2000, $0x38;
	[tilespmem:$0x14000] =	vst v63  }
0x83: {  	s2 =	sld [smem:$0x7FC]  }
0x84: {  	[tilespmem:s7], [sflag:$0x4] =	stream.linear.gather [hbm4b:s31+s3], $0x2000, $0x38;
	[tilespmem:$0x14000] =	vst v63  }
0x85: {  	s31 =	sld [smem:$0x7FD]  }
0x86: {  	[tilespmem:s8], [sflag:$0x5] =	stream.linear.gather [hbm4b:s2+s3], $0x2000, $0x38;
	[tilespmem:$0x14000] =	vst v63  }
0x87: {  	s29 =	rddreg [dreg:$0x0];
	s30 =	simm.s32 $0x0  }
0x88: {  	[tilespmem:s9], [sflag:$0x6] =	stream.linear.gather [hbm4b:s31+s3], $0x2000, $0x38;
	[tilespmem:$0x14000] =	vst v63  }
.LBB2_2:
0x89: {  	_ =	swait.ge [sflag:s10], $0x2000  }
0x8a: {  	[sflag:s10] =	ssyncset.done $0x0;
	s0 =	rddreg [dreg:$0x17]  }
0x8b: {  	[sflag:s10] =	ssyncadd.s32 $0xFFFFE000;
	s31 =	sadd.s32 s30, s0  }
0x8c: {  	[hbm4b:s31+s3] =	stream.linear.scatter [tilespmem:s3], [sflag:$0xB], $0x2000, $0x38;
	[tilespmem:$0x14000] =	vst v63  }
0x8d: {  	p0 =	seq.s32 s30, $0x0;
	s31 =	rddreg [dreg:$0x16]  }
0x8e: {  	s0 =	sadd.s32 s30, s31;
	s31 =	simm.s32 @!p0 $0x11  }
0x8f: {  	[hbm4b:s0+s3] =	stream.linear.scatter [tilespmem:s3], [sflag:$0xB], $0x2000, $0x38;
	[tilespmem:$0x14000] =	vst v63  }
0x90: {  	_ =	swait.ge @!p0 [sflag:s31], $0x2000  }
0x91: {  	[sflag:s31] =	ssyncset.done @!p0 $0x0  }
0x92: {  	[sflag:s31] =	ssyncadd.s32 @!p0 $0xFFFFE000  }
0x93: {  	_ =	swait.ge @!p0 [sflag:s31], $0x2000  }
0x94: {  	[sflag:s31] =	ssyncset.done @!p0 $0x0  }
0x95: {  	s2 =	sadd.s32 s29, s14;
	[sflag:s31] =	ssyncadd.s32 @!p0 $0xFFFFE000  }
0x96: {  	[tilespmem:s12], [sflag:$0x7] =	stream.linear.gather [hbm4b:s2+s3], $0x2000, $0x38;
	[tilespmem:$0x14000] =	vst v63  }
0x97: {  	_ =	swait.ge [sflag:s13], $0x2000  }
0x98: {  	[sflag:s13] =	ssyncset.done $0x0;
	s31 =	rddreg [dreg:$0x15]  }
0x99: {  	[sflag:s13] =	ssyncadd.s32 $0xFFFFE000;
	s2 =	sadd.s32 s30, s31;
	s31 =	rddreg [dreg:$0x14]  }
0x9a: {  	[hbm4b:s2+s3] =	stream.linear.scatter [tilespmem:s6], [sflag:$0xC], $0x2000, $0x38;
	[tilespmem:$0x14000] =	vst v63  }
0x9b: {  	s0 =	sadd.s32 s30, s31;
	s31 =	simm.s32 @!p0 $0x12  }
0x9c: {  	[hbm4b:s0+s3] =	stream.linear.scatter [tilespmem:s6], [sflag:$0xC], $0x2000, $0x38;
	[tilespmem:$0x14000] =	vst v63  }
0x9d: {  	_ =	swait.ge @!p0 [sflag:s31], $0x2000  }
0x9e: {  	[sflag:s31] =	ssyncset.done @!p0 $0x0  }
0x9f: {  	[sflag:s31] =	ssyncadd.s32 @!p0 $0xFFFFE000  }
0xa0: {  	_ =	swait.ge @!p0 [sflag:s31], $0x2000  }
0xa1: {  	[sflag:s31] =	ssyncset.done @!p0 $0x0  }
0xa2: {  	s2 =	sadd.s32 s29, s4;
	[sflag:s31] =	ssyncadd.s32 @!p0 $0xFFFFE000  }
0xa3: {  	[tilespmem:s15], [sflag:$0x8] =	stream.linear.gather [hbm4b:s2+s3], $0x2000, $0x38;
	[tilespmem:$0x14000] =	vst v63  }
0xa4: {  	_ =	swait.ge [sflag:s16], $0x2000  }
0xa5: {  	[sflag:s16] =	ssyncset.done $0x0;
	s31 =	rddreg [dreg:$0x13]  }
0xa6: {  	[sflag:s16] =	ssyncadd.s32 $0xFFFFE000;
	s2 =	sadd.s32 s30, s31;
	s31 =	rddreg [dreg:$0x12]  }
0xa7: {  	[hbm4b:s2+s3] =	stream.linear.scatter [tilespmem:s11], [sflag:$0xD], $0x2000, $0x38;
	[tilespmem:$0x14000] =	vst v63  }
0xa8: {  	s2 =	sadd.s32 s30, s31;
	s31 =	simm.s32 @!p0 $0x13  }
0xa9: {  	[hbm4b:s2+s3] =	stream.linear.scatter [tilespmem:s11], [sflag:$0xD], $0x2000, $0x38;
	[tilespmem:$0x14000] =	vst v63  }
0xaa: {  	_ =	swait.ge @!p0 [sflag:s31], $0x2000  }
0xab: {  	[sflag:s31] =	ssyncset.done @!p0 $0x0  }
0xac: {  	[sflag:s31] =	ssyncadd.s32 @!p0 $0xFFFFE000  }
0xad: {  	_ =	swait.ge @!p0 [sflag:s31], $0x2000  }
0xae: {  	[sflag:s31] =	ssyncset.done @!p0 $0x0  }
0xaf: {  	s0 =	sadd.s32 s29, s5;
	[sflag:s31] =	ssyncadd.s32 @!p0 $0xFFFFE000  }
0xb0: {  	[tilespmem:s17], [sflag:$0x9] =	stream.linear.gather [hbm4b:s0+s3], $0x2000, $0x38;
	[tilespmem:$0x14000] =	vst v63  }
0xb1: {  	_ =	swait.ge [sflag:s18], $0x2000  }
0xb2: {  	[sflag:s18] =	ssyncset.done $0x0  }
0xb3: {  	s2 =	sadd.s32 s30, s1;
	s31 =	rddreg [dreg:$0x1f];
	[sflag:s18] =	ssyncadd.s32 $0xFFFFE000  }
0xb4: {  	[hbm4b:s2+s3] =	stream.linear.scatter [tilespmem:s7], [sflag:$0xE], $0x2000, $0x38;
	[tilespmem:$0x14000] =	vst v63  }
0xb5: {  	s2 =	sadd.s32 s30, s31;
	s31 =	simm.s32 @!p0 $0x14  }
0xb6: {  	[hbm4b:s2+s3] =	stream.linear.scatter [tilespmem:s7], [sflag:$0xE], $0x2000, $0x38;
	[tilespmem:$0x14000] =	vst v63  }
0xb7: {  	_ =	swait.ge @!p0 [sflag:s31], $0x2000  }
0xb8: {  	[sflag:s31] =	ssyncset.done @!p0 $0x0  }
0xb9: {  	[sflag:s31] =	ssyncadd.s32 @!p0 $0xFFFFE000  }
0xba: {  	_ =	swait.ge @!p0 [sflag:s31], $0x2000  }
0xbb: {  	[sflag:s31] =	ssyncset.done @!p0 $0x0  }
0xbc: {  	[sflag:s31] =	ssyncadd.s32 @!p0 $0xFFFFE000;
	s31 =	rddreg [dreg:$0x11]  }
0xbd: {  	s2 =	sadd.s32 s29, s31  }
0xbe: {  	[tilespmem:s19], [sflag:$0xA] =	stream.linear.gather [hbm4b:s2+s3], $0x2000, $0x38;
	[tilespmem:$0x14000] =	vst v63  }
0xbf: {  	_ =	swait.ge [sflag:s20], $0x2000  }
0xc0: {  	p0 =	seq.s32 s30, $0xC78000;
	[sflag:s20] =	ssyncset.done $0x0;
	s31 =	rddreg [dreg:$0x1e]  }
0xc1: {  	[sflag:s20] =	ssyncadd.s32 $0xFFFFE000;
	s2 =	sadd.s32 s30, s31;
	s31 =	rddreg [dreg:$0x1d]  }
0xc2: {  	[hbm4b:s2+s3] =	stream.linear.scatter [tilespmem:s8], [sflag:$0xF], $0x2000, $0x38;
	[tilespmem:$0x14000] =	vst v63  }
0xc3: {  	s0 =	sadd.s32 s30, s31;
	s31 =	simm.s32 @!p0 $0xB  }
0xc4: {  	[hbm4b:s0+s3] =	stream.linear.scatter [tilespmem:s8], [sflag:$0xF], $0x2000, $0x38;
	[tilespmem:$0x14000] =	vst v63  }
0xc5: {  	_ =	swait.ge @!p0 [sflag:s31], $0x2000  }
0xc6: {  	[sflag:s31] =	ssyncset.done @!p0 $0x0  }
0xc7: {  	[sflag:s31] =	ssyncadd.s32 @!p0 $0xFFFFE000  }
0xc8: {  	_ =	swait.ge @!p0 [sflag:s31], $0x2000  }
0xc9: {  	[sflag:s31] =	ssyncset.done @!p0 $0x0  }
0xca: {  	[sflag:s31] =	ssyncadd.s32 @!p0 $0xFFFFE000  }
0xcb: {  	s0 =	sshrl.u32 @!p0 s28, $0x3;
	s2 =	rddreg [dreg:$0x0]  }
0xcc: {  	s31 =	simm.s32 @!p0 $0x0;
	s0 =	sadd.s32 @!p0 s2, s0  }
0xcd: {  	[tilespmem:s31], [sflag:$0x1] =	stream.linear.gather @!p0 [hbm4b:s0+s31], $0x2000, $0x38;
	[tilespmem:$0x14000] =	vst v63  }
0xce: {  	_ =	swait.ge [sflag:s21], $0x2000  }
0xcf: {  	[sflag:s21] =	ssyncset.done $0x0;
	s2 =	rddreg [dreg:$0xf]  }
0xd0: {  	[sflag:s21] =	ssyncadd.s32 $0xFFFFE000;
	s0 =	sadd.s32 s30, s2;
	s2 =	rddreg [dreg:$0x1c]  }
0xd1: {  	[hbm4b:s0+s3] =	stream.linear.scatter [tilespmem:s9], [sflag:$0x10], $0x2000, $0x38;
	[tilespmem:$0x14000] =	vst v63  }
0xd2: {  	s0 =	sadd.s32 s30, s2;
	s2 =	rddreg [dreg:$0x1b]  }
0xd3: {  	[hbm4b:s0+s3] =	stream.linear.scatter [tilespmem:s9], [sflag:$0x10], $0x2000, $0x38;
	[tilespmem:$0x14000] =	vst v63  }
0xd4: {  	s0 =	sadd.s32 s30, s2  }
0xd5: {  	[hbm4b:s0+s3] =	stream.linear.scatter [tilespmem:s9], [sflag:$0x10], $0x2000, $0x38;
	[tilespmem:$0x14000] =	vst v63  }
0xd6: {  	s0 =	simm.s32 @!p0 $0xC  }
0xd7: {  	_ =	swait.ge @!p0 [sflag:s0], $0x2000  }
0xd8: {  	[sflag:s0] =	ssyncset.done @!p0 $0x0  }
0xd9: {  	[sflag:s0] =	ssyncadd.s32 @!p0 $0xFFFFE000  }
0xda: {  	_ =	swait.ge @!p0 [sflag:s0], $0x2000  }
0xdb: {  	[sflag:s0] =	ssyncset.done @!p0 $0x0  }
0xdc: {  	[sflag:s0] =	ssyncadd.s32 @!p0 $0xFFFFE000;
	s0 =	rddreg [dreg:$0x10]  }
0xdd: {  	s2 =	simm.s32 @!p0 $0x2000;
	s0 =	sadd.s32 @!p0 s29, s0  }
0xde: {  	[tilespmem:s2], [sflag:$0x2] =	stream.linear.gather @!p0 [hbm4b:s0+s31], $0x2000, $0x38;
	[tilespmem:$0x14000] =	vst v63  }
0xdf: {  	_ =	swait.ge [sflag:s22], $0x2000  }
0xe0: {  	[sflag:s22] =	ssyncset.done $0x0;
	s2 =	rddreg [dreg:$0x1a]  }
0xe1: {  	[sflag:s22] =	ssyncadd.s32 $0xFFFFE000;
	s0 =	sadd.s32 s30, s2;
	s2 =	rddreg [dreg:$0x19]  }
0xe2: {  	[hbm4b:s0+s3] =	stream.linear.scatter [tilespmem:s12], [sflag:$0x11], $0x2000, $0x38;
	[tilespmem:$0x14000] =	vst v63  }
0xe3: {  	s0 =	sadd.s32 s30, s2  }
0xe4: {  	[hbm4b:s0+s3] =	stream.linear.scatter [tilespmem:s12], [sflag:$0x11], $0x2000, $0x38;
	[tilespmem:$0x14000] =	vst v63  }
0xe5: {  	s0 =	simm.s32 @!p0 $0xD  }
0xe6: {  	_ =	swait.ge @!p0 [sflag:s0], $0x2000  }
0xe7: {  	[sflag:s0] =	ssyncset.done @!p0 $0x0  }
0xe8: {  	[sflag:s0] =	ssyncadd.s32 @!p0 $0xFFFFE000  }
0xe9: {  	_ =	swait.ge @!p0 [sflag:s0], $0x2000  }
0xea: {  	[sflag:s0] =	ssyncset.done @!p0 $0x0  }
0xeb: {  	[sflag:s0] =	ssyncadd.s32 @!p0 $0xFFFFE000;
	s0 =	rddreg [dreg:$0xe]  }
0xec: {  	s2 =	simm.s32 @!p0 $0x4000;
	s0 =	sadd.s32 @!p0 s29, s0  }
0xed: {  	[tilespmem:s2], [sflag:$0x3] =	stream.linear.gather @!p0 [hbm4b:s0+s31], $0x2000, $0x38;
	[tilespmem:$0x14000] =	vst v63  }
0xee: {  	_ =	swait.ge [sflag:s23], $0x2000  }
0xef: {  	[sflag:s23] =	ssyncset.done $0x0;
	s2 =	rddreg [dreg:$0x18]  }
0xf0: {  	[sflag:s23] =	ssyncadd.s32 $0xFFFFE000;
	s0 =	sadd.s32 s30, s2;
	s2 =	rddreg [dreg:$0x9]  }
0xf1: {  	[hbm4b:s0+s3] =	stream.linear.scatter [tilespmem:s15], [sflag:$0x12], $0x2000, $0x38;
	[tilespmem:$0x14000] =	vst v63  }
0xf2: {  	s0 =	sadd.s32 s30, s2  }
0xf3: {  	[hbm4b:s0+s3] =	stream.linear.scatter [tilespmem:s15], [sflag:$0x12], $0x2000, $0x38;
	[tilespmem:$0x14000] =	vst v63  }
0xf4: {  	s0 =	simm.s32 @!p0 $0xE  }
0xf5: {  	_ =	swait.ge @!p0 [sflag:s0], $0x2000  }
0xf6: {  	[sflag:s0] =	ssyncset.done @!p0 $0x0  }
0xf7: {  	[sflag:s0] =	ssyncadd.s32 @!p0 $0xFFFFE000  }
0xf8: {  	_ =	swait.ge @!p0 [sflag:s0], $0x2000  }
0xf9: {  	[sflag:s0] =	ssyncset.done @!p0 $0x0  }
0xfa: {  	[sflag:s0] =	ssyncadd.s32 @!p0 $0xFFFFE000;
	s0 =	rddreg [dreg:$0xc]  }
0xfb: {  	s2 =	simm.s32 @!p0 $0x6000;
	s0 =	sadd.s32 @!p0 s29, s0  }
0xfc: {  	[tilespmem:s2], [sflag:$0x4] =	stream.linear.gather @!p0 [hbm4b:s0+s31], $0x2000, $0x38;
	[tilespmem:$0x14000] =	vst v63  }
0xfd: {  	_ =	swait.ge [sflag:s24], $0x2000  }
0xfe: {  	[sflag:s24] =	ssyncset.done $0x0;
	s2 =	rddreg [dreg:$0x8]  }
0xff: {  	[sflag:s24] =	ssyncadd.s32 $0xFFFFE000;
	s0 =	sadd.s32 s30, s2;
	s2 =	rddreg [dreg:$0x7]  }
0x100: {  	[hbm4b:s0+s3] =	stream.linear.scatter [tilespmem:s17], [sflag:$0x13], $0x2000, $0x38;
	[tilespmem:$0x14000] =	vst v63  }
0x101: {  	s0 =	sadd.s32 s30, s2  }
0x102: {  	[hbm4b:s0+s3] =	stream.linear.scatter [tilespmem:s17], [sflag:$0x13], $0x2000, $0x38;
	[tilespmem:$0x14000] =	vst v63  }
0x103: {  	s0 =	simm.s32 @!p0 $0xF  }
0x104: {  	_ =	swait.ge @!p0 [sflag:s0], $0x2000  }
0x105: {  	[sflag:s0] =	ssyncset.done @!p0 $0x0  }
0x106: {  	[sflag:s0] =	ssyncadd.s32 @!p0 $0xFFFFE000  }
0x107: {  	_ =	swait.ge @!p0 [sflag:s0], $0x2000  }
0x108: {  	[sflag:s0] =	ssyncset.done @!p0 $0x0  }
0x109: {  	[sflag:s0] =	ssyncadd.s32 @!p0 $0xFFFFE000;
	s0 =	rddreg [dreg:$0xb]  }
0x10a: {  	s2 =	simm.s32 @!p0 $0x8000;
	s0 =	sadd.s32 @!p0 s29, s0  }
0x10b: {  	[tilespmem:s2], [sflag:$0x5] =	stream.linear.gather @!p0 [hbm4b:s0+s31], $0x2000, $0x38;
	[tilespmem:$0x14000] =	vst v63  }
0x10c: {  	_ =	swait.ge [sflag:s25], $0x2000  }
.Ltmp2:
0x10d: {  	[sflag:s25] =	ssyncset.done $0x0;
	s2 =	rddreg [dreg:$0x6];
	(pc) =	sbr.rel @p0 .LBB2_4-.Ltmp2, $4  }
0x10e: {  	s31 =	rddreg [dreg:$0x5];
	[sflag:s25] =	ssyncadd.s32 $0xFFFFE000;
	s0 =	sadd.s32 s30, s2  }
0x10f: {  	[hbm4b:s0+s3] =	stream.linear.scatter [tilespmem:s19], [sflag:$0x14], $0x2000, $0x38;
	[tilespmem:$0x14000] =	vst v63  }
0x110: {  	s0 =	sadd.s32 s30, s31  }
0x111: {  	[hbm4b:s0+s3] =	stream.linear.scatter [tilespmem:s19], [sflag:$0x14], $0x2000, $0x38;
	[tilespmem:$0x14000] =	vst v63  }
0x112: {  	_ =	swait.ge [sflag:s26], $0x2000  }
0x113: {  	[sflag:s26] =	ssyncset.done $0x0  }
0x114: {  	[sflag:s26] =	ssyncadd.s32 $0xFFFFE000  }
0x115: {  	_ =	swait.ge [sflag:s26], $0x2000  }
0x116: {  	[sflag:s26] =	ssyncset.done $0x0  }
.Ltmp3:
0x117: {  	[sflag:s26] =	ssyncadd.s32 $0xFFFFE000;
	(pc) =	sbr.rel .LBB2_2-.Ltmp3, $4  }
0x118: {  	s30 =	sadd.s32 $0xA8000, s30;
	_ =	swait.ge [sflag:s26], $0x2000  }
0x119: {  	s28 =	sadd.s32 $0x280000, s28;
	[sflag:s26] =	ssyncset.done $0x0;
	s0 =	rddreg [dreg:$0xa]  }
0x11a: {  	[sflag:s26] =	ssyncadd.s32 $0xFFFFE000;
	s0 =	sadd.s32 s29, s0;
	s29 =	sadd.s32 $0x50000, s29  }
0x11b: {  	[tilespmem:s9], [sflag:$0x6] =	stream.linear.gather [hbm4b:s0+s3], $0x2000, $0x38;
	[tilespmem:$0x14000] =	vst v63  }
.LBB2_5:
0x11c: {  	_ =	sfence.sel $0x180000  }
0x11d: {  	[bflag:$0x0] =	sbarrier.arrive $0xFFFF  }
0x11e: {  	_ =	strace $0x90000047  }
0x11f: {  	s0 =	stileid.u32;
	[bflag:$0x2] =	sbarrier.arrive $0xFFFF  }
0x120: {  	p0 =	sne.s32 s0, $0x0;
	s0 =	rddreg [dreg:$0x2]  }
0x121: {  	s0 =	sadd.s32 @!p0 $0x100000, s0  }
0x122: {  	[sflag:s0] =	ssyncadd.tile.s32 @!p0 $0x1;
	_ =	shalt  }
.Lfunc_end2:
_tile_overlayer_lowered:
.L_overlay_start_2:
0x123: {  	(tag) =	ssettag $0x2  }
0x124: {  	s0 =	rddreg [dreg:$0x0];
	s2 =	stileid.u32  }
0x125: {  	s1 =	rddreg [dreg:$0x1];
	p0 =	sne.s32 s2, $0x0  }
0x126: {  	s3 =	rddreg [dreg:$0x2];
	[bflag:$0x3] =	sbarrier.arrive $0xFFFF;
	s2 =	simm.s32 @!p0 $0x1C15  }
0x127: {  	[timem:s3], [sflag:s2] =	dma.local @!p0 [hbm:s0], s1  }
0x128: {  	s0 =	simm.s32 @!p0 $0x15  }
0x129: {  	_ =	swait.ge @!p0 [sflag:s0], s1  }
0x12a: {  	s1 =	ssub.s32 @!p0 $0x0, s1;
	[sflag:s0] =	ssyncset.done @!p0 $0x0  }
0x12b: {  	[sflag:s0] =	ssyncadd.s32 @!p0 s1  }
0x12c: {  	[bflag:$0x3] =	sbarrier.arrive $0xFFFF  }
0x12d: {  	_ =	shalt  }

</sc_bundles>
